<compile_context>
chip_gen: v7x
topology: tpu7x:2x2x1
jax: 0.10.2.dev20260603
libtpu: 0.0.44.dev20260713+nightly
codegen_flags: <defaults>
</compile_context>

<pallas_src>
import functools

import jax
import jax.numpy as jnp
from jax import lax
from jax.experimental import pallas as pl
from jax.experimental.pallas import tpu as pltpu
from jax.experimental.pallas import tpu_sc as plsc

VOCAB = 1000
BATCH = 16384
HIST = 200
D = 32
NC = 2
NS = 16
NW = NC * NS
BB = BATCH // NW
BBP = BB + 1
NGRP = BB // 16
NBUF = 2
NBODY = HIST // NBUF

_mesh = plsc.VectorSubcoreMesh(core_axis_name="c", subcore_axis_name="s")

_SPLAT_DNUMS = lax.GatherDimensionNumbers(
    offset_dims=(), collapsed_slice_dims=(0,), start_index_map=(0,)
)


def _lane_splat(vec, t):
    idx = jnp.full((16, 1), t, jnp.int32)
    return lax.gather(
        vec,
        idx,
        _SPLAT_DNUMS,
        (1,),
        mode=lax.GatherScatterMode.PROMISE_IN_BOUNDS,
    )


@functools.partial(
    pl.kernel,
    mesh=_mesh,
    compiler_params=pltpu.CompilerParams(
        needs_layout_passes=False, use_tc_tiling_on_sc=False
    ),
    out_type=jax.ShapeDtypeStruct((HIST, D, BATCH), jnp.float32),
    scratch_types=[
        pltpu.VMEM((VOCAB, D), jnp.float32),
        [pltpu.VMEM((BB,), jnp.int32)] * NBUF,
        [pltpu.VMEM((D, BBP), jnp.float32)] * NBUF,
        [pltpu.SemaphoreType.DMA] * NBUF,
        [pltpu.SemaphoreType.DMA] * NBUF,
    ],
)
def _emb_lookup(idxT_hbm, w_hbm, out_hbm, w_loc, idx_v, cols_v, ssems, isems):
    wid = lax.axis_index("s") * NC + lax.axis_index("c")
    b0 = wid * BB

    pltpu.sync_copy(w_hbm, w_loc)

    lane16 = lax.iota(jnp.int32, 16)
    lane16h = lane16 + 16

    def body(s, carry):
        for k in range(NBUF):
            h = s * NBUF + k
            idx_b = idx_v[k]
            col_b = cols_v[k]
            col_store = col_b.at[:, pl.ds(0, BB)]

            @pl.when(s > 0)
            def _drain_prev():
                pltpu.make_async_copy(
                    col_store, out_hbm.at[h, :, pl.ds(b0, BB)], ssems[k]
                ).wait()
                pltpu.make_async_copy(
                    idxT_hbm.at[h, pl.ds(b0, BB)], idx_b, isems[k]
                ).wait()

            @pl.when(s == 0)
            def _prime_idx():
                pltpu.sync_copy(idxT_hbm.at[h, pl.ds(b0, BB)], idx_b)

            @plsc.parallel_loop(0, NGRP, unroll=2)
            def _group(g):
                tok16 = idx_b[pl.ds(g * 16, 16)]
                for t in range(16):
                    bs = _lane_splat(tok16, t)
                    v0 = plsc.load_gather(w_loc, [bs, lane16])
                    v1 = plsc.load_gather(w_loc, [bs, lane16h])
                    tcol = jnp.full((16,), g * 16 + t, jnp.int32)
                    plsc.store_scatter(col_b, [lane16, tcol], v0)
                    plsc.store_scatter(col_b, [lane16h, tcol], v1)

            @pl.when(s < NBODY - 1)
            def _prefetch_idx():
                pltpu.async_copy(
                    idxT_hbm.at[h + NBUF, pl.ds(b0, BB)], idx_b, isems[k]
                )

            pltpu.async_copy(
                col_store, out_hbm.at[h, :, pl.ds(b0, BB)], ssems[k]
            )
        return carry

    lax.fori_loop(0, NBODY, body, 0)

    for k in range(NBUF):
        pltpu.make_async_copy(
            cols_v[k].at[:, pl.ds(0, BB)],
            out_hbm.at[0, :, pl.ds(b0, BB)],
            ssems[k],
        ).wait()


def kernel(token_idxs, weight):
    idx_t = jnp.transpose(token_idxs)
    out = _emb_lookup(idx_t, weight)
    return jnp.transpose(out, (2, 0, 1))

# --- scband reference (transcript-rebuilt; emitter-appended) ---
"""Pipeline reference for scband-dynamic-embedding-85323820302451 (READ-ONLY COPY).

The authoritative reference and input builder live on the scoring server;
editing this copy changes nothing except your own understanding.
"""

import jax, jax.numpy as jnp
import numpy as np

VOCAB = 1000
EMBED_DIM = 32
BATCH = 16384
HIST = 200
PAD = 0

def setup_inputs(seed: int = 0):
    key = jax.random.key(seed)
    k1, k2 = jax.random.split(key)
    token_idxs = jax.random.randint(k1, (BATCH, HIST), 0, VOCAB, dtype=jnp.int32)
    weight = jax.random.normal(k2, (VOCAB, EMBED_DIM), dtype=jnp.float32)
    # torch nn.Embedding zero-initializes the padding row
    weight = weight.at[PAD].set(0.0)
    return {"token_idxs": token_idxs, "weight": weight}

def reference(token_idxs, weight):
    # DynamicEmbedding.forward == nn.Embedding lookup
    return jnp.take(weight, token_idxs, axis=0)

if __name__ == "__main__":
    import jax
    _d = setup_inputs()
    print(jax.jit(kernel)(*tuple(_d.values())))

</pallas_src>

<mosaic_0001>
#map = affine_map<(d0, d1) -> (0, 0)>
#map1 = affine_map<(d0, d1) -> (0, 0, 0)>
module attributes {stable_mosaic.version = 14 : i64} {
  func.func @_emb_lookup(%arg0: i32, %arg1: i32, %arg2: memref<200x16384xi32, #tpu.memory_space<hbm>>, %arg3: memref<1000x32xf32, #tpu.memory_space<hbm>>, %arg4: memref<200x32x16384xf32, #tpu.memory_space<hbm>>, %arg5: memref<1000x32xf32, #tpu.memory_space<vmem>>, %arg6: memref<512xi32, #tpu.memory_space<vmem>>, %arg7: memref<512xi32, #tpu.memory_space<vmem>>, %arg8: memref<32x513xf32, #tpu.memory_space<vmem>>, %arg9: memref<32x513xf32, #tpu.memory_space<vmem>>, %arg10: memref<!tpu.dma_semaphore, #tpu.memory_space<semaphore_mem>>, %arg11: memref<!tpu.dma_semaphore, #tpu.memory_space<semaphore_mem>>, %arg12: memref<!tpu.dma_semaphore, #tpu.memory_space<semaphore_mem>>, %arg13: memref<!tpu.dma_semaphore, #tpu.memory_space<semaphore_mem>>) attributes {dimension_semantics = [#tpu.dimension_semantics<core_parallel>, #tpu.dimension_semantics<subcore_parallel>], iteration_bounds = array<i64: 2, 16>, scalar_prefetch = 0 : i64, scratch_operands = 9 : i64, tpu.core_type = #tpu.core_type<sc_vector_subcore>, window_params = [{transform_indices = #map}, {transform_indices = #map}, {transform_indices = #map1}]} {
    %mul3A = arith.constant 2 : i32
    %mul3A_0 = arith.muli %arg1, %mul3A : i32
    %add3A = arith.addi %mul3A_0, %arg0 : i32
    %mul3A_1 = arith.constant 512 : i32
    %mul3A_2 = arith.muli %add3A, %mul3A_1 : i32
    "tpu.region"() ({
      %run_scoped3A = tpu.sem_alloc : memref<!tpu.dma_semaphore, #tpu.memory_space<semaphore_mem>>
      tpu.enqueue_dma source(%arg3 : memref<1000x32xf32, #tpu.memory_space<hbm>>) target(%arg5 : memref<1000x32xf32, #tpu.memory_space<vmem>>) target_semaphore(%run_scoped3A : memref<!tpu.dma_semaphore, #tpu.memory_space<semaphore_mem>>)
      tpu.wait_dma2 semaphore(%run_scoped3A : memref<!tpu.dma_semaphore, #tpu.memory_space<semaphore_mem>>) src(%arg3 : memref<1000x32xf32, #tpu.memory_space<hbm>>) dst(%arg5 : memref<1000x32xf32, #tpu.memory_space<vmem>>)
      tpu.yield
    }) : () -> ()
    %iota3A = tpu.iota {dimensions = array<i32: 0>} : vector<16xi32>
    %add3A_3 = arith.constant 16 : i32
    %add3A_4 = vector.broadcast %add3A_3 : i32 to vector<16xi32>
    %add3A_5 = arith.addi %iota3A, %add3A_4 : vector<16xi32>
    %scan3A = arith.constant 0 : i32
    %scan3A_6 = arith.constant 0 : i32
    %scan3A_7 = arith.constant 100 : i32
    %scan3A_8 = arith.addi %scan3A_6, %scan3A_7 : i32
    %scan3A_9 = arith.constant 1 : i32
    scf.for %scan3A_36 = %scan3A_6 to %scan3A_8 step %scan3A_9  : i32 {
      %mul3A_37 = arith.constant 2 : i32
      %mul3A_38 = arith.muli %scan3A_36, %mul3A_37 : i32
      %add3A_39 = arith.constant 0 : i32
      %add3A_40 = arith.addi %mul3A_38, %add3A_39 : i32
      %gt3A = arith.constant 0 : i32
      %gt3A_41 = arith.cmpi sgt, %scan3A_36, %gt3A : i32
      %convert_element_type3A = arith.extui %gt3A_41 : i1 to i32
      %cond3A = arith.constant 0 : i32
      %cond3A_42 = arith.cmpi ne, %convert_element_type3A, %cond3A : i32
      scf.if %cond3A_42 {
        %dma_wait3A_98 = arith.constant 0 : i32
        %dma_wait3A_99 = arith.constant 0 : i32
        %dma_wait3A_100 = tpu.memref_slice %arg8[%dma_wait3A_98, %dma_wait3A_99] : memref<32x513xf32, #tpu.memory_space<vmem>> -> memref<32x512xf32, #tpu.memory_space<vmem>>
        %dma_wait3A_101 = arith.constant 0 : i32
        %dma_wait3A_102 = tpu.memref_slice %arg4[%add3A_40, %dma_wait3A_101, %mul3A_2] : memref<200x32x16384xf32, #tpu.memory_space<hbm>> -> memref<1x32x512xf32, #tpu.memory_space<hbm>>
        %dma_wait3A_103 = tpu.memref_squeeze %dma_wait3A_102 : memref<1x32x512xf32, #tpu.memory_space<hbm>> -> memref<32x512xf32, #tpu.memory_space<hbm>>
        %dma_wait3A_104 = arith.constant 0 : i32
        %dma_wait3A_105 = tpu.memref_slice %arg4[%add3A_40, %dma_wait3A_104, %mul3A_2] : memref<200x32x16384xf32, #tpu.memory_space<hbm>> -> memref<1x32x512xf32, #tpu.memory_space<hbm>>
        %dma_wait3A_106 = tpu.memref_squeeze %dma_wait3A_105 : memref<1x32x512xf32, #tpu.memory_space<hbm>> -> memref<32x512xf32, #tpu.memory_space<hbm>>
        %dma_wait3A_107 = arith.constant 0 : i32
        %dma_wait3A_108 = arith.constant 0 : i32
        %dma_wait3A_109 = tpu.memref_slice %arg8[%dma_wait3A_107, %dma_wait3A_108] : memref<32x513xf32, #tpu.memory_space<vmem>> -> memref<32x512xf32, #tpu.memory_space<vmem>>
        tpu.wait_dma2 semaphore(%arg10 : memref<!tpu.dma_semaphore, #tpu.memory_space<semaphore_mem>>) src(%dma_wait3A_109 : memref<32x512xf32, #tpu.memory_space<vmem>>) dst(%dma_wait3A_106 : memref<32x512xf32, #tpu.memory_space<hbm>>)
        %dma_wait3A_110 = tpu.memref_slice %arg2[%add3A_40, %mul3A_2] : memref<200x16384xi32, #tpu.memory_space<hbm>> -> memref<1x512xi32, #tpu.memory_space<hbm>>
        %dma_wait3A_111 = tpu.memref_squeeze %dma_wait3A_110 : memref<1x512xi32, #tpu.memory_space<hbm>> -> memref<512xi32, #tpu.memory_space<hbm>>
        %dma_wait3A_112 = tpu.memref_slice %arg2[%add3A_40, %mul3A_2] : memref<200x16384xi32, #tpu.memory_space<hbm>> -> memref<1x512xi32, #tpu.memory_space<hbm>>
        %dma_wait3A_113 = tpu.memref_squeeze %dma_wait3A_112 : memref<1x512xi32, #tpu.memory_space<hbm>> -> memref<512xi32, #tpu.memory_space<hbm>>
        tpu.wait_dma2 semaphore(%arg12 : memref<!tpu.dma_semaphore, #tpu.memory_space<semaphore_mem>>) src(%dma_wait3A_113 : memref<512xi32, #tpu.memory_space<hbm>>) dst(%arg6 : memref<512xi32, #tpu.memory_space<vmem>>)
      } else {
      }
      %eq3A = arith.constant 0 : i32
      %eq3A_43 = arith.cmpi eq, %scan3A_36, %eq3A : i32
      %convert_element_type3A_44 = arith.extui %eq3A_43 : i1 to i32
      %cond3A_45 = arith.constant 0 : i32
      %cond3A_46 = arith.cmpi ne, %convert_element_type3A_44, %cond3A_45 : i32
      scf.if %cond3A_46 {
        "tpu.region"() ({
          %run_scoped3A = tpu.sem_alloc : memref<!tpu.dma_semaphore, #tpu.memory_space<semaphore_mem>>
          %dma_start3A_98 = tpu.memref_slice %arg2[%add3A_40, %mul3A_2] : memref<200x16384xi32, #tpu.memory_space<hbm>> -> memref<1x512xi32, #tpu.memory_space<hbm>>
          %dma_start3A_99 = tpu.memref_squeeze %dma_start3A_98 : memref<1x512xi32, #tpu.memory_space<hbm>> -> memref<512xi32, #tpu.memory_space<hbm>>
          %dma_start3A_100 = tpu.memref_slice %arg2[%add3A_40, %mul3A_2] : memref<200x16384xi32, #tpu.memory_space<hbm>> -> memref<1x512xi32, #tpu.memory_space<hbm>>
          %dma_start3A_101 = tpu.memref_squeeze %dma_start3A_100 : memref<1x512xi32, #tpu.memory_space<hbm>> -> memref<512xi32, #tpu.memory_space<hbm>>
          tpu.enqueue_dma source(%dma_start3A_101 : memref<512xi32, #tpu.memory_space<hbm>>) target(%arg6 : memref<512xi32, #tpu.memory_space<vmem>>) target_semaphore(%run_scoped3A : memref<!tpu.dma_semaphore, #tpu.memory_space<semaphore_mem>>)
          %dma_wait3A_102 = tpu.memref_slice %arg2[%add3A_40, %mul3A_2] : memref<200x16384xi32, #tpu.memory_space<hbm>> -> memref<1x512xi32, #tpu.memory_space<hbm>>
          %dma_wait3A_103 = tpu.memref_squeeze %dma_wait3A_102 : memref<1x512xi32, #tpu.memory_space<hbm>> -> memref<512xi32, #tpu.memory_space<hbm>>
          %dma_wait3A_104 = tpu.memref_slice %arg2[%add3A_40, %mul3A_2] : memref<200x16384xi32, #tpu.memory_space<hbm>> -> memref<1x512xi32, #tpu.memory_space<hbm>>
          %dma_wait3A_105 = tpu.memref_squeeze %dma_wait3A_104 : memref<1x512xi32, #tpu.memory_space<hbm>> -> memref<512xi32, #tpu.memory_space<hbm>>
          tpu.wait_dma2 semaphore(%run_scoped3A : memref<!tpu.dma_semaphore, #tpu.memory_space<semaphore_mem>>) src(%dma_wait3A_105 : memref<512xi32, #tpu.memory_space<hbm>>) dst(%arg6 : memref<512xi32, #tpu.memory_space<vmem>>)
          tpu.yield
        }) : () -> ()
      } else {
      }
      %parallel_loop3A = arith.constant 0 : i32
      %parallel_loop3A_47 = arith.constant 32 : i32
      %parallel_loop3A_48 = arith.constant 1 : i32
      scf.for %parallel_loop3A_98 = %parallel_loop3A to %parallel_loop3A_47 step %parallel_loop3A_48  : i32 {
        %parallel_loop3A_99 = arith.constant 16 : i32
        %parallel_loop3A_100 = arith.muli %parallel_loop3A_98, %parallel_loop3A_99 : i32
        %parallel_loop3A_101 = arith.index_cast %parallel_loop3A_100 : i32 to index
        %parallel_loop3A_102 = tpu.vector_load %arg6[%parallel_loop3A_101] {strides = array<i32>} : memref<512xi32, #tpu.memory_space<vmem>>, vector<16xi32>,
        %parallel_loop3A_103 = arith.constant 0 : i32
        %parallel_loop3A_104 = vector.broadcast %parallel_loop3A_103 : i32 to vector<16x1xi32>
        %parallel_loop3A_105 = vector.shape_cast %parallel_loop3A_104 : vector<16x1xi32> to vector<16xi32>
        %parallel_loop3A_106 = tpu.dynamic_gather %parallel_loop3A_102[%parallel_loop3A_105] in [0] : vector<16xi32>, vector<16xi32> -> vector<16xi32>
        %parallel_loop3A_107 = tpu.vector_load_idx %arg5[%parallel_loop3A_106, %iota3A] : memref<1000x32xf32, #tpu.memory_space<vmem>>[vector<16xi32>, vector<16xi32>], vector<16xf32>,
        %parallel_loop3A_108 = tpu.vector_load_idx %arg5[%parallel_loop3A_106, %add3A_5] : memref<1000x32xf32, #tpu.memory_space<vmem>>[vector<16xi32>, vector<16xi32>], vector<16xf32>,
        %parallel_loop3A_109 = arith.constant 16 : i32
        %parallel_loop3A_110 = arith.muli %parallel_loop3A_98, %parallel_loop3A_109 : i32
        %parallel_loop3A_111 = arith.constant 0 : i32
        %parallel_loop3A_112 = arith.addi %parallel_loop3A_110, %parallel_loop3A_111 : i32
        %parallel_loop3A_113 = vector.broadcast %parallel_loop3A_112 : i32 to vector<16xi32>
        tpu.vector_store_idx %arg8[%iota3A, %parallel_loop3A_113], %parallel_loop3A_107 : memref<32x513xf32, #tpu.memory_space<vmem>>[vector<16xi32>, vector<16xi32>], vector<16xf32>,
        tpu.vector_store_idx %arg8[%add3A_5, %parallel_loop3A_113], %parallel_loop3A_108 : memref<32x513xf32, #tpu.memory_space<vmem>>[vector<16xi32>, vector<16xi32>], vector<16xf32>,
        %parallel_loop3A_114 = arith.constant 1 : i32
        %parallel_loop3A_115 = vector.broadcast %parallel_loop3A_114 : i32 to vector<16x1xi32>
        %parallel_loop3A_116 = vector.shape_cast %parallel_loop3A_115 : vector<16x1xi32> to vector<16xi32>
        %parallel_loop3A_117 = tpu.dynamic_gather %parallel_loop3A_102[%parallel_loop3A_116] in [0] : vector<16xi32>, vector<16xi32> -> vector<16xi32>
        %parallel_loop3A_118 = tpu.vector_load_idx %arg5[%parallel_loop3A_117, %iota3A] : memref<1000x32xf32, #tpu.memory_space<vmem>>[vector<16xi32>, vector<16xi32>], vector<16xf32>,
        %parallel_loop3A_119 = tpu.vector_load_idx %arg5[%parallel_loop3A_117, %add3A_5] : memref<1000x32xf32, #tpu.memory_space<vmem>>[vector<16xi32>, vector<16xi32>], vector<16xf32>,
        %parallel_loop3A_120 = arith.constant 16 : i32
        %parallel_loop3A_121 = arith.muli %parallel_loop3A_98, %parallel_loop3A_120 : i32
        %parallel_loop3A_122 = arith.constant 1 : i32
        %parallel_loop3A_123 = arith.addi %parallel_loop3A_121, %parallel_loop3A_122 : i32
        %parallel_loop3A_124 = vector.broadcast %parallel_loop3A_123 : i32 to vector<16xi32>
        tpu.vector_store_idx %arg8[%iota3A, %parallel_loop3A_124], %parallel_loop3A_118 : memref<32x513xf32, #tpu.memory_space<vmem>>[vector<16xi32>, vector<16xi32>], vector<16xf32>,
        tpu.vector_store_idx %arg8[%add3A_5, %parallel_loop3A_124], %parallel_loop3A_119 : memref<32x513xf32, #tpu.memory_space<vmem>>[vector<16xi32>, vector<16xi32>], vector<16xf32>,
        %parallel_loop3A_125 = arith.constant 2 : i32
        %parallel_loop3A_126 = vector.broadcast %parallel_loop3A_125 : i32 to vector<16x1xi32>
        %parallel_loop3A_127 = vector.shape_cast %parallel_loop3A_126 : vector<16x1xi32> to vector<16xi32>
        %parallel_loop3A_128 = tpu.dynamic_gather %parallel_loop3A_102[%parallel_loop3A_127] in [0] : vector<16xi32>, vector<16xi32> -> vector<16xi32>
        %parallel_loop3A_129 = tpu.vector_load_idx %arg5[%parallel_loop3A_128, %iota3A] : memref<1000x32xf32, #tpu.memory_space<vmem>>[vector<16xi32>, vector<16xi32>], vector<16xf32>,
        %parallel_loop3A_130 = tpu.vector_load_idx %arg5[%parallel_loop3A_128, %add3A_5] : memref<1000x32xf32, #tpu.memory_space<vmem>>[vector<16xi32>, vector<16xi32>], vector<16xf32>,
        %parallel_loop3A_131 = arith.constant 16 : i32
        %parallel_loop3A_132 = arith.muli %parallel_loop3A_98, %parallel_loop3A_131 : i32
        %parallel_loop3A_133 = arith.constant 2 : i32
        %parallel_loop3A_134 = arith.addi %parallel_loop3A_132, %parallel_loop3A_133 : i32
        %parallel_loop3A_135 = vector.broadcast %parallel_loop3A_134 : i32 to vector<16xi32>
        tpu.vector_store_idx %arg8[%iota3A, %parallel_loop3A_135], %parallel_loop3A_129 : memref<32x513xf32, #tpu.memory_space<vmem>>[vector<16xi32>, vector<16xi32>], vector<16xf32>,
        tpu.vector_store_idx %arg8[%add3A_5, %parallel_loop3A_135], %parallel_loop3A_130 : memref<32x513xf32, #tpu.memory_space<vmem>>[vector<16xi32>, vector<16xi32>], vector<16xf32>,
        %parallel_loop3A_136 = arith.constant 3 : i32
        %parallel_loop3A_137 = vector.broadcast %parallel_loop3A_136 : i32 to vector<16x1xi32>
        %parallel_loop3A_138 = vector.shape_cast %parallel_loop3A_137 : vector<16x1xi32> to vector<16xi32>
        %parallel_loop3A_139 = tpu.dynamic_gather %parallel_loop3A_102[%parallel_loop3A_138] in [0] : vector<16xi32>, vector<16xi32> -> vector<16xi32>
        %parallel_loop3A_140 = tpu.vector_load_idx %arg5[%parallel_loop3A_139, %iota3A] : memref<1000x32xf32, #tpu.memory_space<vmem>>[vector<16xi32>, vector<16xi32>], vector<16xf32>,
        %parallel_loop3A_141 = tpu.vector_load_idx %arg5[%parallel_loop3A_139, %add3A_5] : memref<1000x32xf32, #tpu.memory_space<vmem>>[vector<16xi32>, vector<16xi32>], vector<16xf32>,
        %parallel_loop3A_142 = arith.constant 16 : i32
        %parallel_loop3A_143 = arith.muli %parallel_loop3A_98, %parallel_loop3A_142 : i32
        %parallel_loop3A_144 = arith.constant 3 : i32
        %parallel_loop3A_145 = arith.addi %parallel_loop3A_143, %parallel_loop3A_144 : i32
        %parallel_loop3A_146 = vector.broadcast %parallel_loop3A_145 : i32 to vector<16xi32>
        tpu.vector_store_idx %arg8[%iota3A, %parallel_loop3A_146], %parallel_loop3A_140 : memref<32x513xf32, #tpu.memory_space<vmem>>[vector<16xi32>, vector<16xi32>], vector<16xf32>,
        tpu.vector_store_idx %arg8[%add3A_5, %parallel_loop3A_146], %parallel_loop3A_141 : memref<32x513xf32, #tpu.memory_space<vmem>>[vector<16xi32>, vector<16xi32>], vector<16xf32>,
        %parallel_loop3A_147 = arith.constant 4 : i32
        %parallel_loop3A_148 = vector.broadcast %parallel_loop3A_147 : i32 to vector<16x1xi32>
        %parallel_loop3A_149 = vector.shape_cast %parallel_loop3A_148 : vector<16x1xi32> to vector<16xi32>
        %parallel_loop3A_150 = tpu.dynamic_gather %parallel_loop3A_102[%parallel_loop3A_149] in [0] : vector<16xi32>, vector<16xi32> -> vector<16xi32>
        %parallel_loop3A_151 = tpu.vector_load_idx %arg5[%parallel_loop3A_150, %iota3A] : memref<1000x32xf32, #tpu.memory_space<vmem>>[vector<16xi32>, vector<16xi32>], vector<16xf32>,
        %parallel_loop3A_152 = tpu.vector_load_idx %arg5[%parallel_loop3A_150, %add3A_5] : memref<1000x32xf32, #tpu.memory_space<vmem>>[vector<16xi32>, vector<16xi32>], vector<16xf32>,
        %parallel_loop3A_153 = arith.constant 16 : i32
        %parallel_loop3A_154 = arith.muli %parallel_loop3A_98, %parallel_loop3A_153 : i32
        %parallel_loop3A_155 = arith.constant 4 : i32
        %parallel_loop3A_156 = arith.addi %parallel_loop3A_154, %parallel_loop3A_155 : i32
        %parallel_loop3A_157 = vector.broadcast %parallel_loop3A_156 : i32 to vector<16xi32>
        tpu.vector_store_idx %arg8[%iota3A, %parallel_loop3A_157], %parallel_loop3A_151 : memref<32x513xf32, #tpu.memory_space<vmem>>[vector<16xi32>, vector<16xi32>], vector<16xf32>,
        tpu.vector_store_idx %arg8[%add3A_5, %parallel_loop3A_157], %parallel_loop3A_152 : memref<32x513xf32, #tpu.memory_space<vmem>>[vector<16xi32>, vector<16xi32>], vector<16xf32>,
        %parallel_loop3A_158 = arith.constant 5 : i32
        %parallel_loop3A_159 = vector.broadcast %parallel_loop3A_158 : i32 to vector<16x1xi32>
        %parallel_loop3A_160 = vector.shape_cast %parallel_loop3A_159 : vector<16x1xi32> to vector<16xi32>
        %parallel_loop3A_161 = tpu.dynamic_gather %parallel_loop3A_102[%parallel_loop3A_160] in [0] : vector<16xi32>, vector<16xi32> -> vector<16xi32>
        %parallel_loop3A_162 = tpu.vector_load_idx %arg5[%parallel_loop3A_161, %iota3A] : memref<1000x32xf32, #tpu.memory_space<vmem>>[vector<16xi32>, vector<16xi32>], vector<16xf32>,
        %parallel_loop3A_163 = tpu.vector_load_idx %arg5[%parallel_loop3A_161, %add3A_5] : memref<1000x32xf32, #tpu.memory_space<vmem>>[vector<16xi32>, vector<16xi32>], vector<16xf32>,
        %parallel_loop3A_164 = arith.constant 16 : i32
        %parallel_loop3A_165 = arith.muli %parallel_loop3A_98, %parallel_loop3A_164 : i32
        %parallel_loop3A_166 = arith.constant 5 : i32
        %parallel_loop3A_167 = arith.addi %parallel_loop3A_165, %parallel_loop3A_166 : i32
        %parallel_loop3A_168 = vector.broadcast %parallel_loop3A_167 : i32 to vector<16xi32>
        tpu.vector_store_idx %arg8[%iota3A, %parallel_loop3A_168], %parallel_loop3A_162 : memref<32x513xf32, #tpu.memory_space<vmem>>[vector<16xi32>, vector<16xi32>], vector<16xf32>,
        tpu.vector_store_idx %arg8[%add3A_5, %parallel_loop3A_168], %parallel_loop3A_163 : memref<32x513xf32, #tpu.memory_space<vmem>>[vector<16xi32>, vector<16xi32>], vector<16xf32>,
        %parallel_loop3A_169 = arith.constant 6 : i32
        %parallel_loop3A_170 = vector.broadcast %parallel_loop3A_169 : i32 to vector<16x1xi32>
        %parallel_loop3A_171 = vector.shape_cast %parallel_loop3A_170 : vector<16x1xi32> to vector<16xi32>
        %parallel_loop3A_172 = tpu.dynamic_gather %parallel_loop3A_102[%parallel_loop3A_171] in [0] : vector<16xi32>, vector<16xi32> -> vector<16xi32>
        %parallel_loop3A_173 = tpu.vector_load_idx %arg5[%parallel_loop3A_172, %iota3A] : memref<1000x32xf32, #tpu.memory_space<vmem>>[vector<16xi32>, vector<16xi32>], vector<16xf32>,
        %parallel_loop3A_174 = tpu.vector_load_idx %arg5[%parallel_loop3A_172, %add3A_5] : memref<1000x32xf32, #tpu.memory_space<vmem>>[vector<16xi32>, vector<16xi32>], vector<16xf32>,
        %parallel_loop3A_175 = arith.constant 16 : i32
        %parallel_loop3A_176 = arith.muli %parallel_loop3A_98, %parallel_loop3A_175 : i32
        %parallel_loop3A_177 = arith.constant 6 : i32
        %parallel_loop3A_178 = arith.addi %parallel_loop3A_176, %parallel_loop3A_177 : i32
        %parallel_loop3A_179 = vector.broadcast %parallel_loop3A_178 : i32 to vector<16xi32>
        tpu.vector_store_idx %arg8[%iota3A, %parallel_loop3A_179], %parallel_loop3A_173 : memref<32x513xf32, #tpu.memory_space<vmem>>[vector<16xi32>, vector<16xi32>], vector<16xf32>,
        tpu.vector_store_idx %arg8[%add3A_5, %parallel_loop3A_179], %parallel_loop3A_174 : memref<32x513xf32, #tpu.memory_space<vmem>>[vector<16xi32>, vector<16xi32>], vector<16xf32>,
        %parallel_loop3A_180 = arith.constant 7 : i32
        %parallel_loop3A_181 = vector.broadcast %parallel_loop3A_180 : i32 to vector<16x1xi32>
        %parallel_loop3A_182 = vector.shape_cast %parallel_loop3A_181 : vector<16x1xi32> to vector<16xi32>
        %parallel_loop3A_183 = tpu.dynamic_gather %parallel_loop3A_102[%parallel_loop3A_182] in [0] : vector<16xi32>, vector<16xi32> -> vector<16xi32>
        %parallel_loop3A_184 = tpu.vector_load_idx %arg5[%parallel_loop3A_183, %iota3A] : memref<1000x32xf32, #tpu.memory_space<vmem>>[vector<16xi32>, vector<16xi32>], vector<16xf32>,
        %parallel_loop3A_185 = tpu.vector_load_idx %arg5[%parallel_loop3A_183, %add3A_5] : memref<1000x32xf32, #tpu.memory_space<vmem>>[vector<16xi32>, vector<16xi32>], vector<16xf32>,
        %parallel_loop3A_186 = arith.constant 16 : i32
        %parallel_loop3A_187 = arith.muli %parallel_loop3A_98, %parallel_loop3A_186 : i32
        %parallel_loop3A_188 = arith.constant 7 : i32
        %parallel_loop3A_189 = arith.addi %parallel_loop3A_187, %parallel_loop3A_188 : i32
        %parallel_loop3A_190 = vector.broadcast %parallel_loop3A_189 : i32 to vector<16xi32>
        tpu.vector_store_idx %arg8[%iota3A, %parallel_loop3A_190], %parallel_loop3A_184 : memref<32x513xf32, #tpu.memory_space<vmem>>[vector<16xi32>, vector<16xi32>], vector<16xf32>,
        tpu.vector_store_idx %arg8[%add3A_5, %parallel_loop3A_190], %parallel_loop3A_185 : memref<32x513xf32, #tpu.memory_space<vmem>>[vector<16xi32>, vector<16xi32>], vector<16xf32>,
        %parallel_loop3A_191 = arith.constant 8 : i32
        %parallel_loop3A_192 = vector.broadcast %parallel_loop3A_191 : i32 to vector<16x1xi32>
        %parallel_loop3A_193 = vector.shape_cast %parallel_loop3A_192 : vector<16x1xi32> to vector<16xi32>
        %parallel_loop3A_194 = tpu.dynamic_gather %parallel_loop3A_102[%parallel_loop3A_193] in [0] : vector<16xi32>, vector<16xi32> -> vector<16xi32>
        %parallel_loop3A_195 = tpu.vector_load_idx %arg5[%parallel_loop3A_194, %iota3A] : memref<1000x32xf32, #tpu.memory_space<vmem>>[vector<16xi32>, vector<16xi32>], vector<16xf32>,
        %parallel_loop3A_196 = tpu.vector_load_idx %arg5[%parallel_loop3A_194, %add3A_5] : memref<1000x32xf32, #tpu.memory_space<vmem>>[vector<16xi32>, vector<16xi32>], vector<16xf32>,
        %parallel_loop3A_197 = arith.constant 16 : i32
        %parallel_loop3A_198 = arith.muli %parallel_loop3A_98, %parallel_loop3A_197 : i32
        %parallel_loop3A_199 = arith.constant 8 : i32
        %parallel_loop3A_200 = arith.addi %parallel_loop3A_198, %parallel_loop3A_199 : i32
        %parallel_loop3A_201 = vector.broadcast %parallel_loop3A_200 : i32 to vector<16xi32>
        tpu.vector_store_idx %arg8[%iota3A, %parallel_loop3A_201], %parallel_loop3A_195 : memref<32x513xf32, #tpu.memory_space<vmem>>[vector<16xi32>, vector<16xi32>], vector<16xf32>,
        tpu.vector_store_idx %arg8[%add3A_5, %parallel_loop3A_201], %parallel_loop3A_196 : memref<32x513xf32, #tpu.memory_space<vmem>>[vector<16xi32>, vector<16xi32>], vector<16xf32>,
        %parallel_loop3A_202 = arith.constant 9 : i32
        %parallel_loop3A_203 = vector.broadcast %parallel_loop3A_202 : i32 to vector<16x1xi32>
        %parallel_loop3A_204 = vector.shape_cast %parallel_loop3A_203 : vector<16x1xi32> to vector<16xi32>
        %parallel_loop3A_205 = tpu.dynamic_gather %parallel_loop3A_102[%parallel_loop3A_204] in [0] : vector<16xi32>, vector<16xi32> -> vector<16xi32>
        %parallel_loop3A_206 = tpu.vector_load_idx %arg5[%parallel_loop3A_205, %iota3A] : memref<1000x32xf32, #tpu.memory_space<vmem>>[vector<16xi32>, vector<16xi32>], vector<16xf32>,
        %parallel_loop3A_207 = tpu.vector_load_idx %arg5[%parallel_loop3A_205, %add3A_5] : memref<1000x32xf32, #tpu.memory_space<vmem>>[vector<16xi32>, vector<16xi32>], vector<16xf32>,
        %parallel_loop3A_208 = arith.constant 16 : i32
        %parallel_loop3A_209 = arith.muli %parallel_loop3A_98, %parallel_loop3A_208 : i32
        %parallel_loop3A_210 = arith.constant 9 : i32
        %parallel_loop3A_211 = arith.addi %parallel_loop3A_209, %parallel_loop3A_210 : i32
        %parallel_loop3A_212 = vector.broadcast %parallel_loop3A_211 : i32 to vector<16xi32>
        tpu.vector_store_idx %arg8[%iota3A, %parallel_loop3A_212], %parallel_loop3A_206 : memref<32x513xf32, #tpu.memory_space<vmem>>[vector<16xi32>, vector<16xi32>], vector<16xf32>,
        tpu.vector_store_idx %arg8[%add3A_5, %parallel_loop3A_212], %parallel_loop3A_207 : memref<32x513xf32, #tpu.memory_space<vmem>>[vector<16xi32>, vector<16xi32>], vector<16xf32>,
        %parallel_loop3A_213 = arith.constant 10 : i32
        %parallel_loop3A_214 = vector.broadcast %parallel_loop3A_213 : i32 to vector<16x1xi32>
        %parallel_loop3A_215 = vector.shape_cast %parallel_loop3A_214 : vector<16x1xi32> to vector<16xi32>
        %parallel_loop3A_216 = tpu.dynamic_gather %parallel_loop3A_102[%parallel_loop3A_215] in [0] : vector<16xi32>, vector<16xi32> -> vector<16xi32>
        %parallel_loop3A_217 = tpu.vector_load_idx %arg5[%parallel_loop3A_216, %iota3A] : memref<1000x32xf32, #tpu.memory_space<vmem>>[vector<16xi32>, vector<16xi32>], vector<16xf32>,
        %parallel_loop3A_218 = tpu.vector_load_idx %arg5[%parallel_loop3A_216, %add3A_5] : memref<1000x32xf32, #tpu.memory_space<vmem>>[vector<16xi32>, vector<16xi32>], vector<16xf32>,
        %parallel_loop3A_219 = arith.constant 16 : i32
        %parallel_loop3A_220 = arith.muli %parallel_loop3A_98, %parallel_loop3A_219 : i32
        %parallel_loop3A_221 = arith.constant 10 : i32
        %parallel_loop3A_222 = arith.addi %parallel_loop3A_220, %parallel_loop3A_221 : i32
        %parallel_loop3A_223 = vector.broadcast %parallel_loop3A_222 : i32 to vector<16xi32>
        tpu.vector_store_idx %arg8[%iota3A, %parallel_loop3A_223], %parallel_loop3A_217 : memref<32x513xf32, #tpu.memory_space<vmem>>[vector<16xi32>, vector<16xi32>], vector<16xf32>,
        tpu.vector_store_idx %arg8[%add3A_5, %parallel_loop3A_223], %parallel_loop3A_218 : memref<32x513xf32, #tpu.memory_space<vmem>>[vector<16xi32>, vector<16xi32>], vector<16xf32>,
        %parallel_loop3A_224 = arith.constant 11 : i32
        %parallel_loop3A_225 = vector.broadcast %parallel_loop3A_224 : i32 to vector<16x1xi32>
        %parallel_loop3A_226 = vector.shape_cast %parallel_loop3A_225 : vector<16x1xi32> to vector<16xi32>
        %parallel_loop3A_227 = tpu.dynamic_gather %parallel_loop3A_102[%parallel_loop3A_226] in [0] : vector<16xi32>, vector<16xi32> -> vector<16xi32>
        %parallel_loop3A_228 = tpu.vector_load_idx %arg5[%parallel_loop3A_227, %iota3A] : memref<1000x32xf32, #tpu.memory_space<vmem>>[vector<16xi32>, vector<16xi32>], vector<16xf32>,
        %parallel_loop3A_229 = tpu.vector_load_idx %arg5[%parallel_loop3A_227, %add3A_5] : memref<1000x32xf32, #tpu.memory_space<vmem>>[vector<16xi32>, vector<16xi32>], vector<16xf32>,
        %parallel_loop3A_230 = arith.constant 16 : i32
        %parallel_loop3A_231 = arith.muli %parallel_loop3A_98, %parallel_loop3A_230 : i32
        %parallel_loop3A_232 = arith.constant 11 : i32
        %parallel_loop3A_233 = arith.addi %parallel_loop3A_231, %parallel_loop3A_232 : i32
        %parallel_loop3A_234 = vector.broadcast %parallel_loop3A_233 : i32 to vector<16xi32>
        tpu.vector_store_idx %arg8[%iota3A, %parallel_loop3A_234], %parallel_loop3A_228 : memref<32x513xf32, #tpu.memory_space<vmem>>[vector<16xi32>, vector<16xi32>], vector<16xf32>,
        tpu.vector_store_idx %arg8[%add3A_5, %parallel_loop3A_234], %parallel_loop3A_229 : memref<32x513xf32, #tpu.memory_space<vmem>>[vector<16xi32>, vector<16xi32>], vector<16xf32>,
        %parallel_loop3A_235 = arith.constant 12 : i32
        %parallel_loop3A_236 = vector.broadcast %parallel_loop3A_235 : i32 to vector<16x1xi32>
        %parallel_loop3A_237 = vector.shape_cast %parallel_loop3A_236 : vector<16x1xi32> to vector<16xi32>
        %parallel_loop3A_238 = tpu.dynamic_gather %parallel_loop3A_102[%parallel_loop3A_237] in [0] : vector<16xi32>, vector<16xi32> -> vector<16xi32>
        %parallel_loop3A_239 = tpu.vector_load_idx %arg5[%parallel_loop3A_238, %iota3A] : memref<1000x32xf32, #tpu.memory_space<vmem>>[vector<16xi32>, vector<16xi32>], vector<16xf32>,
        %parallel_loop3A_240 = tpu.vector_load_idx %arg5[%parallel_loop3A_238, %add3A_5] : memref<1000x32xf32, #tpu.memory_space<vmem>>[vector<16xi32>, vector<16xi32>], vector<16xf32>,
        %parallel_loop3A_241 = arith.constant 16 : i32
        %parallel_loop3A_242 = arith.muli %parallel_loop3A_98, %parallel_loop3A_241 : i32
        %parallel_loop3A_243 = arith.constant 12 : i32
        %parallel_loop3A_244 = arith.addi %parallel_loop3A_242, %parallel_loop3A_243 : i32
        %parallel_loop3A_245 = vector.broadcast %parallel_loop3A_244 : i32 to vector<16xi32>
        tpu.vector_store_idx %arg8[%iota3A, %parallel_loop3A_245], %parallel_loop3A_239 : memref<32x513xf32, #tpu.memory_space<vmem>>[vector<16xi32>, vector<16xi32>], vector<16xf32>,
        tpu.vector_store_idx %arg8[%add3A_5, %parallel_loop3A_245], %parallel_loop3A_240 : memref<32x513xf32, #tpu.memory_space<vmem>>[vector<16xi32>, vector<16xi32>], vector<16xf32>,
        %parallel_loop3A_246 = arith.constant 13 : i32
        %parallel_loop3A_247 = vector.broadcast %parallel_loop3A_246 : i32 to vector<16x1xi32>
        %parallel_loop3A_248 = vector.shape_cast %parallel_loop3A_247 : vector<16x1xi32> to vector<16xi32>
        %parallel_loop3A_249 = tpu.dynamic_gather %parallel_loop3A_102[%parallel_loop3A_248] in [0] : vector<16xi32>, vector<16xi32> -> vector<16xi32>
        %parallel_loop3A_250 = tpu.vector_load_idx %arg5[%parallel_loop3A_249, %iota3A] : memref<1000x32xf32, #tpu.memory_space<vmem>>[vector<16xi32>, vector<16xi32>], vector<16xf32>,
        %parallel_loop3A_251 = tpu.vector_load_idx %arg5[%parallel_loop3A_249, %add3A_5] : memref<1000x32xf32, #tpu.memory_space<vmem>>[vector<16xi32>, vector<16xi32>], vector<16xf32>,
        %parallel_loop3A_252 = arith.constant 16 : i32
        %parallel_loop3A_253 = arith.muli %parallel_loop3A_98, %parallel_loop3A_252 : i32
        %parallel_loop3A_254 = arith.constant 13 : i32
        %parallel_loop3A_255 = arith.addi %parallel_loop3A_253, %parallel_loop3A_254 : i32
        %parallel_loop3A_256 = vector.broadcast %parallel_loop3A_255 : i32 to vector<16xi32>
        tpu.vector_store_idx %arg8[%iota3A, %parallel_loop3A_256], %parallel_loop3A_250 : memref<32x513xf32, #tpu.memory_space<vmem>>[vector<16xi32>, vector<16xi32>], vector<16xf32>,
        tpu.vector_store_idx %arg8[%add3A_5, %parallel_loop3A_256], %parallel_loop3A_251 : memref<32x513xf32, #tpu.memory_space<vmem>>[vector<16xi32>, vector<16xi32>], vector<16xf32>,
        %parallel_loop3A_257 = arith.constant 14 : i32
        %parallel_loop3A_258 = vector.broadcast %parallel_loop3A_257 : i32 to vector<16x1xi32>
        %parallel_loop3A_259 = vector.shape_cast %parallel_loop3A_258 : vector<16x1xi32> to vector<16xi32>
        %parallel_loop3A_260 = tpu.dynamic_gather %parallel_loop3A_102[%parallel_loop3A_259] in [0] : vector<16xi32>, vector<16xi32> -> vector<16xi32>
        %parallel_loop3A_261 = tpu.vector_load_idx %arg5[%parallel_loop3A_260, %iota3A] : memref<1000x32xf32, #tpu.memory_space<vmem>>[vector<16xi32>, vector<16xi32>], vector<16xf32>,
        %parallel_loop3A_262 = tpu.vector_load_idx %arg5[%parallel_loop3A_260, %add3A_5] : memref<1000x32xf32, #tpu.memory_space<vmem>>[vector<16xi32>, vector<16xi32>], vector<16xf32>,
        %parallel_loop3A_263 = arith.constant 16 : i32
        %parallel_loop3A_264 = arith.muli %parallel_loop3A_98, %parallel_loop3A_263 : i32
        %parallel_loop3A_265 = arith.constant 14 : i32
        %parallel_loop3A_266 = arith.addi %parallel_loop3A_264, %parallel_loop3A_265 : i32
        %parallel_loop3A_267 = vector.broadcast %parallel_loop3A_266 : i32 to vector<16xi32>
        tpu.vector_store_idx %arg8[%iota3A, %parallel_loop3A_267], %parallel_loop3A_261 : memref<32x513xf32, #tpu.memory_space<vmem>>[vector<16xi32>, vector<16xi32>], vector<16xf32>,
        tpu.vector_store_idx %arg8[%add3A_5, %parallel_loop3A_267], %parallel_loop3A_262 : memref<32x513xf32, #tpu.memory_space<vmem>>[vector<16xi32>, vector<16xi32>], vector<16xf32>,
        %parallel_loop3A_268 = arith.constant 15 : i32
        %parallel_loop3A_269 = vector.broadcast %parallel_loop3A_268 : i32 to vector<16x1xi32>
        %parallel_loop3A_270 = vector.shape_cast %parallel_loop3A_269 : vector<16x1xi32> to vector<16xi32>
        %parallel_loop3A_271 = tpu.dynamic_gather %parallel_loop3A_102[%parallel_loop3A_270] in [0] : vector<16xi32>, vector<16xi32> -> vector<16xi32>
        %parallel_loop3A_272 = tpu.vector_load_idx %arg5[%parallel_loop3A_271, %iota3A] : memref<1000x32xf32, #tpu.memory_space<vmem>>[vector<16xi32>, vector<16xi32>], vector<16xf32>,
        %parallel_loop3A_273 = tpu.vector_load_idx %arg5[%parallel_loop3A_271, %add3A_5] : memref<1000x32xf32, #tpu.memory_space<vmem>>[vector<16xi32>, vector<16xi32>], vector<16xf32>,
        %parallel_loop3A_274 = arith.constant 16 : i32
        %parallel_loop3A_275 = arith.muli %parallel_loop3A_98, %parallel_loop3A_274 : i32
        %parallel_loop3A_276 = arith.constant 15 : i32
        %parallel_loop3A_277 = arith.addi %parallel_loop3A_275, %parallel_loop3A_276 : i32
        %parallel_loop3A_278 = vector.broadcast %parallel_loop3A_277 : i32 to vector<16xi32>
        tpu.vector_store_idx %arg8[%iota3A, %parallel_loop3A_278], %parallel_loop3A_272 : memref<32x513xf32, #tpu.memory_space<vmem>>[vector<16xi32>, vector<16xi32>], vector<16xf32>,
        tpu.vector_store_idx %arg8[%add3A_5, %parallel_loop3A_278], %parallel_loop3A_273 : memref<32x513xf32, #tpu.memory_space<vmem>>[vector<16xi32>, vector<16xi32>], vector<16xf32>,
      } {sc.loop_unroll_factor = 2 : i64, sc.parallel_access}
      %lt3A = arith.constant 99 : i32
      %lt3A_49 = arith.cmpi slt, %scan3A_36, %lt3A : i32
      %convert_element_type3A_50 = arith.extui %lt3A_49 : i1 to i32
      %cond3A_51 = arith.constant 0 : i32
      %cond3A_52 = arith.cmpi ne, %convert_element_type3A_50, %cond3A_51 : i32
      scf.if %cond3A_52 {
        %add3A_98 = arith.constant 2 : i32
        %add3A_99 = arith.addi %add3A_40, %add3A_98 : i32
        %dma_start3A_100 = tpu.memref_slice %arg2[%add3A_99, %mul3A_2] : memref<200x16384xi32, #tpu.memory_space<hbm>> -> memref<1x512xi32, #tpu.memory_space<hbm>>
        %dma_start3A_101 = tpu.memref_squeeze %dma_start3A_100 : memref<1x512xi32, #tpu.memory_space<hbm>> -> memref<512xi32, #tpu.memory_space<hbm>>
        %dma_start3A_102 = tpu.memref_slice %arg2[%add3A_99, %mul3A_2] : memref<200x16384xi32, #tpu.memory_space<hbm>> -> memref<1x512xi32, #tpu.memory_space<hbm>>
        %dma_start3A_103 = tpu.memref_squeeze %dma_start3A_102 : memref<1x512xi32, #tpu.memory_space<hbm>> -> memref<512xi32, #tpu.memory_space<hbm>>
        tpu.enqueue_dma source(%dma_start3A_103 : memref<512xi32, #tpu.memory_space<hbm>>) target(%arg6 : memref<512xi32, #tpu.memory_space<vmem>>) target_semaphore(%arg12 : memref<!tpu.dma_semaphore, #tpu.memory_space<semaphore_mem>>)
      } else {
      }
      %dma_start3A = arith.constant 0 : i32
      %dma_start3A_53 = arith.constant 0 : i32
      %dma_start3A_54 = tpu.memref_slice %arg8[%dma_start3A, %dma_start3A_53] : memref<32x513xf32, #tpu.memory_space<vmem>> -> memref<32x512xf32, #tpu.memory_space<vmem>>
      %dma_start3A_55 = arith.constant 0 : i32
      %dma_start3A_56 = tpu.memref_slice %arg4[%add3A_40, %dma_start3A_55, %mul3A_2] : memref<200x32x16384xf32, #tpu.memory_space<hbm>> -> memref<1x32x512xf32, #tpu.memory_space<hbm>>
      %dma_start3A_57 = tpu.memref_squeeze %dma_start3A_56 : memref<1x32x512xf32, #tpu.memory_space<hbm>> -> memref<32x512xf32, #tpu.memory_space<hbm>>
      %dma_start3A_58 = arith.constant 0 : i32
      %dma_start3A_59 = tpu.memref_slice %arg4[%add3A_40, %dma_start3A_58, %mul3A_2] : memref<200x32x16384xf32, #tpu.memory_space<hbm>> -> memref<1x32x512xf32, #tpu.memory_space<hbm>>
      %dma_start3A_60 = tpu.memref_squeeze %dma_start3A_59 : memref<1x32x512xf32, #tpu.memory_space<hbm>> -> memref<32x512xf32, #tpu.memory_space<hbm>>
      %dma_start3A_61 = arith.constant 0 : i32
      %dma_start3A_62 = arith.constant 0 : i32
      %dma_start3A_63 = tpu.memref_slice %arg8[%dma_start3A_61, %dma_start3A_62] : memref<32x513xf32, #tpu.memory_space<vmem>> -> memref<32x512xf32, #tpu.memory_space<vmem>>
      tpu.enqueue_dma source(%dma_start3A_63 : memref<32x512xf32, #tpu.memory_space<vmem>>) target(%dma_start3A_60 : memref<32x512xf32, #tpu.memory_space<hbm>>) target_semaphore(%arg10 : memref<!tpu.dma_semaphore, #tpu.memory_space<semaphore_mem>>)
      %mul3A_64 = arith.constant 2 : i32
      %mul3A_65 = arith.muli %scan3A_36, %mul3A_64 : i32
      %add3A_66 = arith.constant 1 : i32
      %add3A_67 = arith.addi %mul3A_65, %add3A_66 : i32
      %gt3A_68 = arith.constant 0 : i32
      %gt3A_69 = arith.cmpi sgt, %scan3A_36, %gt3A_68 : i32
      %convert_element_type3A_70 = arith.extui %gt3A_69 : i1 to i32
      %cond3A_71 = arith.constant 0 : i32
      %cond3A_72 = arith.cmpi ne, %convert_element_type3A_70, %cond3A_71 : i32
      scf.if %cond3A_72 {
        %dma_wait3A_98 = arith.constant 0 : i32
        %dma_wait3A_99 = arith.constant 0 : i32
        %dma_wait3A_100 = tpu.memref_slice %arg9[%dma_wait3A_98, %dma_wait3A_99] : memref<32x513xf32, #tpu.memory_space<vmem>> -> memref<32x512xf32, #tpu.memory_space<vmem>>
        %dma_wait3A_101 = arith.constant 0 : i32
        %dma_wait3A_102 = tpu.memref_slice %arg4[%add3A_67, %dma_wait3A_101, %mul3A_2] : memref<200x32x16384xf32, #tpu.memory_space<hbm>> -> memref<1x32x512xf32, #tpu.memory_space<hbm>>
        %dma_wait3A_103 = tpu.memref_squeeze %dma_wait3A_102 : memref<1x32x512xf32, #tpu.memory_space<hbm>> -> memref<32x512xf32, #tpu.memory_space<hbm>>
        %dma_wait3A_104 = arith.constant 0 : i32
        %dma_wait3A_105 = tpu.memref_slice %arg4[%add3A_67, %dma_wait3A_104, %mul3A_2] : memref<200x32x16384xf32, #tpu.memory_space<hbm>> -> memref<1x32x512xf32, #tpu.memory_space<hbm>>
        %dma_wait3A_106 = tpu.memref_squeeze %dma_wait3A_105 : memref<1x32x512xf32, #tpu.memory_space<hbm>> -> memref<32x512xf32, #tpu.memory_space<hbm>>
        %dma_wait3A_107 = arith.constant 0 : i32
        %dma_wait3A_108 = arith.constant 0 : i32
        %dma_wait3A_109 = tpu.memref_slice %arg9[%dma_wait3A_107, %dma_wait3A_108] : memref<32x513xf32, #tpu.memory_space<vmem>> -> memref<32x512xf32, #tpu.memory_space<vmem>>
        tpu.wait_dma2 semaphore(%arg11 : memref<!tpu.dma_semaphore, #tpu.memory_space<semaphore_mem>>) src(%dma_wait3A_109 : memref<32x512xf32, #tpu.memory_space<vmem>>) dst(%dma_wait3A_106 : memref<32x512xf32, #tpu.memory_space<hbm>>)
        %dma_wait3A_110 = tpu.memref_slice %arg2[%add3A_67, %mul3A_2] : memref<200x16384xi32, #tpu.memory_space<hbm>> -> memref<1x512xi32, #tpu.memory_space<hbm>>
        %dma_wait3A_111 = tpu.memref_squeeze %dma_wait3A_110 : memref<1x512xi32, #tpu.memory_space<hbm>> -> memref<512xi32, #tpu.memory_space<hbm>>
        %dma_wait3A_112 = tpu.memref_slice %arg2[%add3A_67, %mul3A_2] : memref<200x16384xi32, #tpu.memory_space<hbm>> -> memref<1x512xi32, #tpu.memory_space<hbm>>
        %dma_wait3A_113 = tpu.memref_squeeze %dma_wait3A_112 : memref<1x512xi32, #tpu.memory_space<hbm>> -> memref<512xi32, #tpu.memory_space<hbm>>
        tpu.wait_dma2 semaphore(%arg13 : memref<!tpu.dma_semaphore, #tpu.memory_space<semaphore_mem>>) src(%dma_wait3A_113 : memref<512xi32, #tpu.memory_space<hbm>>) dst(%arg7 : memref<512xi32, #tpu.memory_space<vmem>>)
      } else {
      }
      %eq3A_73 = arith.constant 0 : i32
      %eq3A_74 = arith.cmpi eq, %scan3A_36, %eq3A_73 : i32
      %convert_element_type3A_75 = arith.extui %eq3A_74 : i1 to i32
      %cond3A_76 = arith.constant 0 : i32
      %cond3A_77 = arith.cmpi ne, %convert_element_type3A_75, %cond3A_76 : i32
      scf.if %cond3A_77 {
        "tpu.region"() ({
          %run_scoped3A = tpu.sem_alloc : memref<!tpu.dma_semaphore, #tpu.memory_space<semaphore_mem>>
          %dma_start3A_98 = tpu.memref_slice %arg2[%add3A_67, %mul3A_2] : memref<200x16384xi32, #tpu.memory_space<hbm>> -> memref<1x512xi32, #tpu.memory_space<hbm>>
          %dma_start3A_99 = tpu.memref_squeeze %dma_start3A_98 : memref<1x512xi32, #tpu.memory_space<hbm>> -> memref<512xi32, #tpu.memory_space<hbm>>
          %dma_start3A_100 = tpu.memref_slice %arg2[%add3A_67, %mul3A_2] : memref<200x16384xi32, #tpu.memory_space<hbm>> -> memref<1x512xi32, #tpu.memory_space<hbm>>
          %dma_start3A_101 = tpu.memref_squeeze %dma_start3A_100 : memref<1x512xi32, #tpu.memory_space<hbm>> -> memref<512xi32, #tpu.memory_space<hbm>>
          tpu.enqueue_dma source(%dma_start3A_101 : memref<512xi32, #tpu.memory_space<hbm>>) target(%arg7 : memref<512xi32, #tpu.memory_space<vmem>>) target_semaphore(%run_scoped3A : memref<!tpu.dma_semaphore, #tpu.memory_space<semaphore_mem>>)
          %dma_wait3A_102 = tpu.memref_slice %arg2[%add3A_67, %mul3A_2] : memref<200x16384xi32, #tpu.memory_space<hbm>> -> memref<1x512xi32, #tpu.memory_space<hbm>>
          %dma_wait3A_103 = tpu.memref_squeeze %dma_wait3A_102 : memref<1x512xi32, #tpu.memory_space<hbm>> -> memref<512xi32, #tpu.memory_space<hbm>>
          %dma_wait3A_104 = tpu.memref_slice %arg2[%add3A_67, %mul3A_2] : memref<200x16384xi32, #tpu.memory_space<hbm>> -> memref<1x512xi32, #tpu.memory_space<hbm>>
          %dma_wait3A_105 = tpu.memref_squeeze %dma_wait3A_104 : memref<1x512xi32, #tpu.memory_space<hbm>> -> memref<512xi32, #tpu.memory_space<hbm>>
          tpu.wait_dma2 semaphore(%run_scoped3A : memref<!tpu.dma_semaphore, #tpu.memory_space<semaphore_mem>>) src(%dma_wait3A_105 : memref<512xi32, #tpu.memory_space<hbm>>) dst(%arg7 : memref<512xi32, #tpu.memory_space<vmem>>)
          tpu.yield
        }) : () -> ()
      } else {
      }
      %parallel_loop3A_78 = arith.constant 0 : i32
      %parallel_loop3A_79 = arith.constant 32 : i32
      %parallel_loop3A_80 = arith.constant 1 : i32
      scf.for %parallel_loop3A_98 = %parallel_loop3A_78 to %parallel_loop3A_79 step %parallel_loop3A_80  : i32 {
        %parallel_loop3A_99 = arith.constant 16 : i32
        %parallel_loop3A_100 = arith.muli %parallel_loop3A_98, %parallel_loop3A_99 : i32
        %parallel_loop3A_101 = arith.index_cast %parallel_loop3A_100 : i32 to index
        %parallel_loop3A_102 = tpu.vector_load %arg7[%parallel_loop3A_101] {strides = array<i32>} : memref<512xi32, #tpu.memory_space<vmem>>, vector<16xi32>,
        %parallel_loop3A_103 = arith.constant 0 : i32
        %parallel_loop3A_104 = vector.broadcast %parallel_loop3A_103 : i32 to vector<16x1xi32>
        %parallel_loop3A_105 = vector.shape_cast %parallel_loop3A_104 : vector<16x1xi32> to vector<16xi32>
        %parallel_loop3A_106 = tpu.dynamic_gather %parallel_loop3A_102[%parallel_loop3A_105] in [0] : vector<16xi32>, vector<16xi32> -> vector<16xi32>
        %parallel_loop3A_107 = tpu.vector_load_idx %arg5[%parallel_loop3A_106, %iota3A] : memref<1000x32xf32, #tpu.memory_space<vmem>>[vector<16xi32>, vector<16xi32>], vector<16xf32>,
        %parallel_loop3A_108 = tpu.vector_load_idx %arg5[%parallel_loop3A_106, %add3A_5] : memref<1000x32xf32, #tpu.memory_space<vmem>>[vector<16xi32>, vector<16xi32>], vector<16xf32>,
        %parallel_loop3A_109 = arith.constant 16 : i32
        %parallel_loop3A_110 = arith.muli %parallel_loop3A_98, %parallel_loop3A_109 : i32
        %parallel_loop3A_111 = arith.constant 0 : i32
        %parallel_loop3A_112 = arith.addi %parallel_loop3A_110, %parallel_loop3A_111 : i32
        %parallel_loop3A_113 = vector.broadcast %parallel_loop3A_112 : i32 to vector<16xi32>
        tpu.vector_store_idx %arg9[%iota3A, %parallel_loop3A_113], %parallel_loop3A_107 : memref<32x513xf32, #tpu.memory_space<vmem>>[vector<16xi32>, vector<16xi32>], vector<16xf32>,
        tpu.vector_store_idx %arg9[%add3A_5, %parallel_loop3A_113], %parallel_loop3A_108 : memref<32x513xf32, #tpu.memory_space<vmem>>[vector<16xi32>, vector<16xi32>], vector<16xf32>,
        %parallel_loop3A_114 = arith.constant 1 : i32
        %parallel_loop3A_115 = vector.broadcast %parallel_loop3A_114 : i32 to vector<16x1xi32>
        %parallel_loop3A_116 = vector.shape_cast %parallel_loop3A_115 : vector<16x1xi32> to vector<16xi32>
        %parallel_loop3A_117 = tpu.dynamic_gather %parallel_loop3A_102[%parallel_loop3A_116] in [0] : vector<16xi32>, vector<16xi32> -> vector<16xi32>
        %parallel_loop3A_118 = tpu.vector_load_idx %arg5[%parallel_loop3A_117, %iota3A] : memref<1000x32xf32, #tpu.memory_space<vmem>>[vector<16xi32>, vector<16xi32>], vector<16xf32>,
        %parallel_loop3A_119 = tpu.vector_load_idx %arg5[%parallel_loop3A_117, %add3A_5] : memref<1000x32xf32, #tpu.memory_space<vmem>>[vector<16xi32>, vector<16xi32>], vector<16xf32>,
        %parallel_loop3A_120 = arith.constant 16 : i32
        %parallel_loop3A_121 = arith.muli %parallel_loop3A_98, %parallel_loop3A_120 : i32
        %parallel_loop3A_122 = arith.constant 1 : i32
        %parallel_loop3A_123 = arith.addi %parallel_loop3A_121, %parallel_loop3A_122 : i32
        %parallel_loop3A_124 = vector.broadcast %parallel_loop3A_123 : i32 to vector<16xi32>
        tpu.vector_store_idx %arg9[%iota3A, %parallel_loop3A_124], %parallel_loop3A_118 : memref<32x513xf32, #tpu.memory_space<vmem>>[vector<16xi32>, vector<16xi32>], vector<16xf32>,
        tpu.vector_store_idx %arg9[%add3A_5, %parallel_loop3A_124], %parallel_loop3A_119 : memref<32x513xf32, #tpu.memory_space<vmem>>[vector<16xi32>, vector<16xi32>], vector<16xf32>,
        %parallel_loop3A_125 = arith.constant 2 : i32
        %parallel_loop3A_126 = vector.broadcast %parallel_loop3A_125 : i32 to vector<16x1xi32>
        %parallel_loop3A_127 = vector.shape_cast %parallel_loop3A_126 : vector<16x1xi32> to vector<16xi32>
        %parallel_loop3A_128 = tpu.dynamic_gather %parallel_loop3A_102[%parallel_loop3A_127] in [0] : vector<16xi32>, vector<16xi32> -> vector<16xi32>
        %parallel_loop3A_129 = tpu.vector_load_idx %arg5[%parallel_loop3A_128, %iota3A] : memref<1000x32xf32, #tpu.memory_space<vmem>>[vector<16xi32>, vector<16xi32>], vector<16xf32>,
        %parallel_loop3A_130 = tpu.vector_load_idx %arg5[%parallel_loop3A_128, %add3A_5] : memref<1000x32xf32, #tpu.memory_space<vmem>>[vector<16xi32>, vector<16xi32>], vector<16xf32>,
        %parallel_loop3A_131 = arith.constant 16 : i32
        %parallel_loop3A_132 = arith.muli %parallel_loop3A_98, %parallel_loop3A_131 : i32
        %parallel_loop3A_133 = arith.constant 2 : i32
        %parallel_loop3A_134 = arith.addi %parallel_loop3A_132, %parallel_loop3A_133 : i32
        %parallel_loop3A_135 = vector.broadcast %parallel_loop3A_134 : i32 to vector<16xi32>
        tpu.vector_store_idx %arg9[%iota3A, %parallel_loop3A_135], %parallel_loop3A_129 : memref<32x513xf32, #tpu.memory_space<vmem>>[vector<16xi32>, vector<16xi32>], vector<16xf32>,
        tpu.vector_store_idx %arg9[%add3A_5, %parallel_loop3A_135], %parallel_loop3A_130 : memref<32x513xf32, #tpu.memory_space<vmem>>[vector<16xi32>, vector<16xi32>], vector<16xf32>,
        %parallel_loop3A_136 = arith.constant 3 : i32
        %parallel_loop3A_137 = vector.broadcast %parallel_loop3A_136 : i32 to vector<16x1xi32>
        %parallel_loop3A_138 = vector.shape_cast %parallel_loop3A_137 : vector<16x1xi32> to vector<16xi32>
        %parallel_loop3A_139 = tpu.dynamic_gather %parallel_loop3A_102[%parallel_loop3A_138] in [0] : vector<16xi32>, vector<16xi32> -> vector<16xi32>
        %parallel_loop3A_140 = tpu.vector_load_idx %arg5[%parallel_loop3A_139, %iota3A] : memref<1000x32xf32, #tpu.memory_space<vmem>>[vector<16xi32>, vector<16xi32>], vector<16xf32>,
        %parallel_loop3A_141 = tpu.vector_load_idx %arg5[%parallel_loop3A_139, %add3A_5] : memref<1000x32xf32, #tpu.memory_space<vmem>>[vector<16xi32>, vector<16xi32>], vector<16xf32>,
        %parallel_loop3A_142 = arith.constant 16 : i32
        %parallel_loop3A_143 = arith.muli %parallel_loop3A_98, %parallel_loop3A_142 : i32
        %parallel_loop3A_144 = arith.constant 3 : i32
        %parallel_loop3A_145 = arith.addi %parallel_loop3A_143, %parallel_loop3A_144 : i32
        %parallel_loop3A_146 = vector.broadcast %parallel_loop3A_145 : i32 to vector<16xi32>
        tpu.vector_store_idx %arg9[%iota3A, %parallel_loop3A_146], %parallel_loop3A_140 : memref<32x513xf32, #tpu.memory_space<vmem>>[vector<16xi32>, vector<16xi32>], vector<16xf32>,
        tpu.vector_store_idx %arg9[%add3A_5, %parallel_loop3A_146], %parallel_loop3A_141 : memref<32x513xf32, #tpu.memory_space<vmem>>[vector<16xi32>, vector<16xi32>], vector<16xf32>,
        %parallel_loop3A_147 = arith.constant 4 : i32
        %parallel_loop3A_148 = vector.broadcast %parallel_loop3A_147 : i32 to vector<16x1xi32>
        %parallel_loop3A_149 = vector.shape_cast %parallel_loop3A_148 : vector<16x1xi32> to vector<16xi32>
        %parallel_loop3A_150 = tpu.dynamic_gather %parallel_loop3A_102[%parallel_loop3A_149] in [0] : vector<16xi32>, vector<16xi32> -> vector<16xi32>
        %parallel_loop3A_151 = tpu.vector_load_idx %arg5[%parallel_loop3A_150, %iota3A] : memref<1000x32xf32, #tpu.memory_space<vmem>>[vector<16xi32>, vector<16xi32>], vector<16xf32>,
        %parallel_loop3A_152 = tpu.vector_load_idx %arg5[%parallel_loop3A_150, %add3A_5] : memref<1000x32xf32, #tpu.memory_space<vmem>>[vector<16xi32>, vector<16xi32>], vector<16xf32>,
        %parallel_loop3A_153 = arith.constant 16 : i32
        %parallel_loop3A_154 = arith.muli %parallel_loop3A_98, %parallel_loop3A_153 : i32
        %parallel_loop3A_155 = arith.constant 4 : i32
        %parallel_loop3A_156 = arith.addi %parallel_loop3A_154, %parallel_loop3A_155 : i32
        %parallel_loop3A_157 = vector.broadcast %parallel_loop3A_156 : i32 to vector<16xi32>
        tpu.vector_store_idx %arg9[%iota3A, %parallel_loop3A_157], %parallel_loop3A_151 : memref<32x513xf32, #tpu.memory_space<vmem>>[vector<16xi32>, vector<16xi32>], vector<16xf32>,
        tpu.vector_store_idx %arg9[%add3A_5, %parallel_loop3A_157], %parallel_loop3A_152 : memref<32x513xf32, #tpu.memory_space<vmem>>[vector<16xi32>, vector<16xi32>], vector<16xf32>,
        %parallel_loop3A_158 = arith.constant 5 : i32
        %parallel_loop3A_159 = vector.broadcast %parallel_loop3A_158 : i32 to vector<16x1xi32>
        %parallel_loop3A_160 = vector.shape_cast %parallel_loop3A_159 : vector<16x1xi32> to vector<16xi32>
        %parallel_loop3A_161 = tpu.dynamic_gather %parallel_loop3A_102[%parallel_loop3A_160] in [0] : vector<16xi32>, vector<16xi32> -> vector<16xi32>
        %parallel_loop3A_162 = tpu.vector_load_idx %arg5[%parallel_loop3A_161, %iota3A] : memref<1000x32xf32, #tpu.memory_space<vmem>>[vector<16xi32>, vector<16xi32>], vector<16xf32>,
        %parallel_loop3A_163 = tpu.vector_load_idx %arg5[%parallel_loop3A_161, %add3A_5] : memref<1000x32xf32, #tpu.memory_space<vmem>>[vector<16xi32>, vector<16xi32>], vector<16xf32>,
        %parallel_loop3A_164 = arith.constant 16 : i32
        %parallel_loop3A_165 = arith.muli %parallel_loop3A_98, %parallel_loop3A_164 : i32
        %parallel_loop3A_166 = arith.constant 5 : i32
        %parallel_loop3A_167 = arith.addi %parallel_loop3A_165, %parallel_loop3A_166 : i32
        %parallel_loop3A_168 = vector.broadcast %parallel_loop3A_167 : i32 to vector<16xi32>
        tpu.vector_store_idx %arg9[%iota3A, %parallel_loop3A_168], %parallel_loop3A_162 : memref<32x513xf32, #tpu.memory_space<vmem>>[vector<16xi32>, vector<16xi32>], vector<16xf32>,
        tpu.vector_store_idx %arg9[%add3A_5, %parallel_loop3A_168], %parallel_loop3A_163 : memref<32x513xf32, #tpu.memory_space<vmem>>[vector<16xi32>, vector<16xi32>], vector<16xf32>,
        %parallel_loop3A_169 = arith.constant 6 : i32
        %parallel_loop3A_170 = vector.broadcast %parallel_loop3A_169 : i32 to vector<16x1xi32>
        %parallel_loop3A_171 = vector.shape_cast %parallel_loop3A_170 : vector<16x1xi32> to vector<16xi32>
        %parallel_loop3A_172 = tpu.dynamic_gather %parallel_loop3A_102[%parallel_loop3A_171] in [0] : vector<16xi32>, vector<16xi32> -> vector<16xi32>
        %parallel_loop3A_173 = tpu.vector_load_idx %arg5[%parallel_loop3A_172, %iota3A] : memref<1000x32xf32, #tpu.memory_space<vmem>>[vector<16xi32>, vector<16xi32>], vector<16xf32>,
        %parallel_loop3A_174 = tpu.vector_load_idx %arg5[%parallel_loop3A_172, %add3A_5] : memref<1000x32xf32, #tpu.memory_space<vmem>>[vector<16xi32>, vector<16xi32>], vector<16xf32>,
        %parallel_loop3A_175 = arith.constant 16 : i32
        %parallel_loop3A_176 = arith.muli %parallel_loop3A_98, %parallel_loop3A_175 : i32
        %parallel_loop3A_177 = arith.constant 6 : i32
        %parallel_loop3A_178 = arith.addi %parallel_loop3A_176, %parallel_loop3A_177 : i32
        %parallel_loop3A_179 = vector.broadcast %parallel_loop3A_178 : i32 to vector<16xi32>
        tpu.vector_store_idx %arg9[%iota3A, %parallel_loop3A_179], %parallel_loop3A_173 : memref<32x513xf32, #tpu.memory_space<vmem>>[vector<16xi32>, vector<16xi32>], vector<16xf32>,
        tpu.vector_store_idx %arg9[%add3A_5, %parallel_loop3A_179], %parallel_loop3A_174 : memref<32x513xf32, #tpu.memory_space<vmem>>[vector<16xi32>, vector<16xi32>], vector<16xf32>,
        %parallel_loop3A_180 = arith.constant 7 : i32
        %parallel_loop3A_181 = vector.broadcast %parallel_loop3A_180 : i32 to vector<16x1xi32>
        %parallel_loop3A_182 = vector.shape_cast %parallel_loop3A_181 : vector<16x1xi32> to vector<16xi32>
        %parallel_loop3A_183 = tpu.dynamic_gather %parallel_loop3A_102[%parallel_loop3A_182] in [0] : vector<16xi32>, vector<16xi32> -> vector<16xi32>
        %parallel_loop3A_184 = tpu.vector_load_idx %arg5[%parallel_loop3A_183, %iota3A] : memref<1000x32xf32, #tpu.memory_space<vmem>>[vector<16xi32>, vector<16xi32>], vector<16xf32>,
        %parallel_loop3A_185 = tpu.vector_load_idx %arg5[%parallel_loop3A_183, %add3A_5] : memref<1000x32xf32, #tpu.memory_space<vmem>>[vector<16xi32>, vector<16xi32>], vector<16xf32>,
        %parallel_loop3A_186 = arith.constant 16 : i32
        %parallel_loop3A_187 = arith.muli %parallel_loop3A_98, %parallel_loop3A_186 : i32
        %parallel_loop3A_188 = arith.constant 7 : i32
        %parallel_loop3A_189 = arith.addi %parallel_loop3A_187, %parallel_loop3A_188 : i32
        %parallel_loop3A_190 = vector.broadcast %parallel_loop3A_189 : i32 to vector<16xi32>
        tpu.vector_store_idx %arg9[%iota3A, %parallel_loop3A_190], %parallel_loop3A_184 : memref<32x513xf32, #tpu.memory_space<vmem>>[vector<16xi32>, vector<16xi32>], vector<16xf32>,
        tpu.vector_store_idx %arg9[%add3A_5, %parallel_loop3A_190], %parallel_loop3A_185 : memref<32x513xf32, #tpu.memory_space<vmem>>[vector<16xi32>, vector<16xi32>], vector<16xf32>,
        %parallel_loop3A_191 = arith.constant 8 : i32
        %parallel_loop3A_192 = vector.broadcast %parallel_loop3A_191 : i32 to vector<16x1xi32>
        %parallel_loop3A_193 = vector.shape_cast %parallel_loop3A_192 : vector<16x1xi32> to vector<16xi32>
        %parallel_loop3A_194 = tpu.dynamic_gather %parallel_loop3A_102[%parallel_loop3A_193] in [0] : vector<16xi32>, vector<16xi32> -> vector<16xi32>
        %parallel_loop3A_195 = tpu.vector_load_idx %arg5[%parallel_loop3A_194, %iota3A] : memref<1000x32xf32, #tpu.memory_space<vmem>>[vector<16xi32>, vector<16xi32>], vector<16xf32>,
        %parallel_loop3A_196 = tpu.vector_load_idx %arg5[%parallel_loop3A_194, %add3A_5] : memref<1000x32xf32, #tpu.memory_space<vmem>>[vector<16xi32>, vector<16xi32>], vector<16xf32>,
        %parallel_loop3A_197 = arith.constant 16 : i32
        %parallel_loop3A_198 = arith.muli %parallel_loop3A_98, %parallel_loop3A_197 : i32
        %parallel_loop3A_199 = arith.constant 8 : i32
        %parallel_loop3A_200 = arith.addi %parallel_loop3A_198, %parallel_loop3A_199 : i32
        %parallel_loop3A_201 = vector.broadcast %parallel_loop3A_200 : i32 to vector<16xi32>
        tpu.vector_store_idx %arg9[%iota3A, %parallel_loop3A_201], %parallel_loop3A_195 : memref<32x513xf32, #tpu.memory_space<vmem>>[vector<16xi32>, vector<16xi32>], vector<16xf32>,
        tpu.vector_store_idx %arg9[%add3A_5, %parallel_loop3A_201], %parallel_loop3A_196 : memref<32x513xf32, #tpu.memory_space<vmem>>[vector<16xi32>, vector<16xi32>], vector<16xf32>,
        %parallel_loop3A_202 = arith.constant 9 : i32
        %parallel_loop3A_203 = vector.broadcast %parallel_loop3A_202 : i32 to vector<16x1xi32>
        %parallel_loop3A_204 = vector.shape_cast %parallel_loop3A_203 : vector<16x1xi32> to vector<16xi32>
        %parallel_loop3A_205 = tpu.dynamic_gather %parallel_loop3A_102[%parallel_loop3A_204] in [0] : vector<16xi32>, vector<16xi32> -> vector<16xi32>
        %parallel_loop3A_206 = tpu.vector_load_idx %arg5[%parallel_loop3A_205, %iota3A] : memref<1000x32xf32, #tpu.memory_space<vmem>>[vector<16xi32>, vector<16xi32>], vector<16xf32>,
        %parallel_loop3A_207 = tpu.vector_load_idx %arg5[%parallel_loop3A_205, %add3A_5] : memref<1000x32xf32, #tpu.memory_space<vmem>>[vector<16xi32>, vector<16xi32>], vector<16xf32>,
        %parallel_loop3A_208 = arith.constant 16 : i32
        %parallel_loop3A_209 = arith.muli %parallel_loop3A_98, %parallel_loop3A_208 : i32
        %parallel_loop3A_210 = arith.constant 9 : i32
        %parallel_loop3A_211 = arith.addi %parallel_loop3A_209, %parallel_loop3A_210 : i32
        %parallel_loop3A_212 = vector.broadcast %parallel_loop3A_211 : i32 to vector<16xi32>
        tpu.vector_store_idx %arg9[%iota3A, %parallel_loop3A_212], %parallel_loop3A_206 : memref<32x513xf32, #tpu.memory_space<vmem>>[vector<16xi32>, vector<16xi32>], vector<16xf32>,
        tpu.vector_store_idx %arg9[%add3A_5, %parallel_loop3A_212], %parallel_loop3A_207 : memref<32x513xf32, #tpu.memory_space<vmem>>[vector<16xi32>, vector<16xi32>], vector<16xf32>,
        %parallel_loop3A_213 = arith.constant 10 : i32
        %parallel_loop3A_214 = vector.broadcast %parallel_loop3A_213 : i32 to vector<16x1xi32>
        %parallel_loop3A_215 = vector.shape_cast %parallel_loop3A_214 : vector<16x1xi32> to vector<16xi32>
        %parallel_loop3A_216 = tpu.dynamic_gather %parallel_loop3A_102[%parallel_loop3A_215] in [0] : vector<16xi32>, vector<16xi32> -> vector<16xi32>
        %parallel_loop3A_217 = tpu.vector_load_idx %arg5[%parallel_loop3A_216, %iota3A] : memref<1000x32xf32, #tpu.memory_space<vmem>>[vector<16xi32>, vector<16xi32>], vector<16xf32>,
        %parallel_loop3A_218 = tpu.vector_load_idx %arg5[%parallel_loop3A_216, %add3A_5] : memref<1000x32xf32, #tpu.memory_space<vmem>>[vector<16xi32>, vector<16xi32>], vector<16xf32>,
        %parallel_loop3A_219 = arith.constant 16 : i32
        %parallel_loop3A_220 = arith.muli %parallel_loop3A_98, %parallel_loop3A_219 : i32
        %parallel_loop3A_221 = arith.constant 10 : i32
        %parallel_loop3A_222 = arith.addi %parallel_loop3A_220, %parallel_loop3A_221 : i32
        %parallel_loop3A_223 = vector.broadcast %parallel_loop3A_222 : i32 to vector<16xi32>
        tpu.vector_store_idx %arg9[%iota3A, %parallel_loop3A_223], %parallel_loop3A_217 : memref<32x513xf32, #tpu.memory_space<vmem>>[vector<16xi32>, vector<16xi32>], vector<16xf32>,
        tpu.vector_store_idx %arg9[%add3A_5, %parallel_loop3A_223], %parallel_loop3A_218 : memref<32x513xf32, #tpu.memory_space<vmem>>[vector<16xi32>, vector<16xi32>], vector<16xf32>,
        %parallel_loop3A_224 = arith.constant 11 : i32
        %parallel_loop3A_225 = vector.broadcast %parallel_loop3A_224 : i32 to vector<16x1xi32>
        %parallel_loop3A_226 = vector.shape_cast %parallel_loop3A_225 : vector<16x1xi32> to vector<16xi32>
        %parallel_loop3A_227 = tpu.dynamic_gather %parallel_loop3A_102[%parallel_loop3A_226] in [0] : vector<16xi32>, vector<16xi32> -> vector<16xi32>
        %parallel_loop3A_228 = tpu.vector_load_idx %arg5[%parallel_loop3A_227, %iota3A] : memref<1000x32xf32, #tpu.memory_space<vmem>>[vector<16xi32>, vector<16xi32>], vector<16xf32>,
        %parallel_loop3A_229 = tpu.vector_load_idx %arg5[%parallel_loop3A_227, %add3A_5] : memref<1000x32xf32, #tpu.memory_space<vmem>>[vector<16xi32>, vector<16xi32>], vector<16xf32>,
        %parallel_loop3A_230 = arith.constant 16 : i32
        %parallel_loop3A_231 = arith.muli %parallel_loop3A_98, %parallel_loop3A_230 : i32
        %parallel_loop3A_232 = arith.constant 11 : i32
        %parallel_loop3A_233 = arith.addi %parallel_loop3A_231, %parallel_loop3A_232 : i32
        %parallel_loop3A_234 = vector.broadcast %parallel_loop3A_233 : i32 to vector<16xi32>
        tpu.vector_store_idx %arg9[%iota3A, %parallel_loop3A_234], %parallel_loop3A_228 : memref<32x513xf32, #tpu.memory_space<vmem>>[vector<16xi32>, vector<16xi32>], vector<16xf32>,
        tpu.vector_store_idx %arg9[%add3A_5, %parallel_loop3A_234], %parallel_loop3A_229 : memref<32x513xf32, #tpu.memory_space<vmem>>[vector<16xi32>, vector<16xi32>], vector<16xf32>,
        %parallel_loop3A_235 = arith.constant 12 : i32
        %parallel_loop3A_236 = vector.broadcast %parallel_loop3A_235 : i32 to vector<16x1xi32>
        %parallel_loop3A_237 = vector.shape_cast %parallel_loop3A_236 : vector<16x1xi32> to vector<16xi32>
        %parallel_loop3A_238 = tpu.dynamic_gather %parallel_loop3A_102[%parallel_loop3A_237] in [0] : vector<16xi32>, vector<16xi32> -> vector<16xi32>
        %parallel_loop3A_239 = tpu.vector_load_idx %arg5[%parallel_loop3A_238, %iota3A] : memref<1000x32xf32, #tpu.memory_space<vmem>>[vector<16xi32>, vector<16xi32>], vector<16xf32>,
        %parallel_loop3A_240 = tpu.vector_load_idx %arg5[%parallel_loop3A_238, %add3A_5] : memref<1000x32xf32, #tpu.memory_space<vmem>>[vector<16xi32>, vector<16xi32>], vector<16xf32>,
        %parallel_loop3A_241 = arith.constant 16 : i32
        %parallel_loop3A_242 = arith.muli %parallel_loop3A_98, %parallel_loop3A_241 : i32
        %parallel_loop3A_243 = arith.constant 12 : i32
        %parallel_loop3A_244 = arith.addi %parallel_loop3A_242, %parallel_loop3A_243 : i32
        %parallel_loop3A_245 = vector.broadcast %parallel_loop3A_244 : i32 to vector<16xi32>
        tpu.vector_store_idx %arg9[%iota3A, %parallel_loop3A_245], %parallel_loop3A_239 : memref<32x513xf32, #tpu.memory_space<vmem>>[vector<16xi32>, vector<16xi32>], vector<16xf32>,
        tpu.vector_store_idx %arg9[%add3A_5, %parallel_loop3A_245], %parallel_loop3A_240 : memref<32x513xf32, #tpu.memory_space<vmem>>[vector<16xi32>, vector<16xi32>], vector<16xf32>,
        %parallel_loop3A_246 = arith.constant 13 : i32
        %parallel_loop3A_247 = vector.broadcast %parallel_loop3A_246 : i32 to vector<16x1xi32>
        %parallel_loop3A_248 = vector.shape_cast %parallel_loop3A_247 : vector<16x1xi32> to vector<16xi32>
        %parallel_loop3A_249 = tpu.dynamic_gather %parallel_loop3A_102[%parallel_loop3A_248] in [0] : vector<16xi32>, vector<16xi32> -> vector<16xi32>
        %parallel_loop3A_250 = tpu.vector_load_idx %arg5[%parallel_loop3A_249, %iota3A] : memref<1000x32xf32, #tpu.memory_space<vmem>>[vector<16xi32>, vector<16xi32>], vector<16xf32>,
        %parallel_loop3A_251 = tpu.vector_load_idx %arg5[%parallel_loop3A_249, %add3A_5] : memref<1000x32xf32, #tpu.memory_space<vmem>>[vector<16xi32>, vector<16xi32>], vector<16xf32>,
        %parallel_loop3A_252 = arith.constant 16 : i32
        %parallel_loop3A_253 = arith.muli %parallel_loop3A_98, %parallel_loop3A_252 : i32
        %parallel_loop3A_254 = arith.constant 13 : i32
        %parallel_loop3A_255 = arith.addi %parallel_loop3A_253, %parallel_loop3A_254 : i32
        %parallel_loop3A_256 = vector.broadcast %parallel_loop3A_255 : i32 to vector<16xi32>
        tpu.vector_store_idx %arg9[%iota3A, %parallel_loop3A_256], %parallel_loop3A_250 : memref<32x513xf32, #tpu.memory_space<vmem>>[vector<16xi32>, vector<16xi32>], vector<16xf32>,
        tpu.vector_store_idx %arg9[%add3A_5, %parallel_loop3A_256], %parallel_loop3A_251 : memref<32x513xf32, #tpu.memory_space<vmem>>[vector<16xi32>, vector<16xi32>], vector<16xf32>,
        %parallel_loop3A_257 = arith.constant 14 : i32
        %parallel_loop3A_258 = vector.broadcast %parallel_loop3A_257 : i32 to vector<16x1xi32>
        %parallel_loop3A_259 = vector.shape_cast %parallel_loop3A_258 : vector<16x1xi32> to vector<16xi32>
        %parallel_loop3A_260 = tpu.dynamic_gather %parallel_loop3A_102[%parallel_loop3A_259] in [0] : vector<16xi32>, vector<16xi32> -> vector<16xi32>
        %parallel_loop3A_261 = tpu.vector_load_idx %arg5[%parallel_loop3A_260, %iota3A] : memref<1000x32xf32, #tpu.memory_space<vmem>>[vector<16xi32>, vector<16xi32>], vector<16xf32>,
        %parallel_loop3A_262 = tpu.vector_load_idx %arg5[%parallel_loop3A_260, %add3A_5] : memref<1000x32xf32, #tpu.memory_space<vmem>>[vector<16xi32>, vector<16xi32>], vector<16xf32>,
        %parallel_loop3A_263 = arith.constant 16 : i32
        %parallel_loop3A_264 = arith.muli %parallel_loop3A_98, %parallel_loop3A_263 : i32
        %parallel_loop3A_265 = arith.constant 14 : i32
        %parallel_loop3A_266 = arith.addi %parallel_loop3A_264, %parallel_loop3A_265 : i32
        %parallel_loop3A_267 = vector.broadcast %parallel_loop3A_266 : i32 to vector<16xi32>
        tpu.vector_store_idx %arg9[%iota3A, %parallel_loop3A_267], %parallel_loop3A_261 : memref<32x513xf32, #tpu.memory_space<vmem>>[vector<16xi32>, vector<16xi32>], vector<16xf32>,
        tpu.vector_store_idx %arg9[%add3A_5, %parallel_loop3A_267], %parallel_loop3A_262 : memref<32x513xf32, #tpu.memory_space<vmem>>[vector<16xi32>, vector<16xi32>], vector<16xf32>,
        %parallel_loop3A_268 = arith.constant 15 : i32
        %parallel_loop3A_269 = vector.broadcast %parallel_loop3A_268 : i32 to vector<16x1xi32>
        %parallel_loop3A_270 = vector.shape_cast %parallel_loop3A_269 : vector<16x1xi32> to vector<16xi32>
        %parallel_loop3A_271 = tpu.dynamic_gather %parallel_loop3A_102[%parallel_loop3A_270] in [0] : vector<16xi32>, vector<16xi32> -> vector<16xi32>
        %parallel_loop3A_272 = tpu.vector_load_idx %arg5[%parallel_loop3A_271, %iota3A] : memref<1000x32xf32, #tpu.memory_space<vmem>>[vector<16xi32>, vector<16xi32>], vector<16xf32>,
        %parallel_loop3A_273 = tpu.vector_load_idx %arg5[%parallel_loop3A_271, %add3A_5] : memref<1000x32xf32, #tpu.memory_space<vmem>>[vector<16xi32>, vector<16xi32>], vector<16xf32>,
        %parallel_loop3A_274 = arith.constant 16 : i32
        %parallel_loop3A_275 = arith.muli %parallel_loop3A_98, %parallel_loop3A_274 : i32
        %parallel_loop3A_276 = arith.constant 15 : i32
        %parallel_loop3A_277 = arith.addi %parallel_loop3A_275, %parallel_loop3A_276 : i32
        %parallel_loop3A_278 = vector.broadcast %parallel_loop3A_277 : i32 to vector<16xi32>
        tpu.vector_store_idx %arg9[%iota3A, %parallel_loop3A_278], %parallel_loop3A_272 : memref<32x513xf32, #tpu.memory_space<vmem>>[vector<16xi32>, vector<16xi32>], vector<16xf32>,
        tpu.vector_store_idx %arg9[%add3A_5, %parallel_loop3A_278], %parallel_loop3A_273 : memref<32x513xf32, #tpu.memory_space<vmem>>[vector<16xi32>, vector<16xi32>], vector<16xf32>,
      } {sc.loop_unroll_factor = 2 : i64, sc.parallel_access}
      %lt3A_81 = arith.constant 99 : i32
      %lt3A_82 = arith.cmpi slt, %scan3A_36, %lt3A_81 : i32
      %convert_element_type3A_83 = arith.extui %lt3A_82 : i1 to i32
      %cond3A_84 = arith.constant 0 : i32
      %cond3A_85 = arith.cmpi ne, %convert_element_type3A_83, %cond3A_84 : i32
      scf.if %cond3A_85 {
        %add3A_98 = arith.constant 2 : i32
        %add3A_99 = arith.addi %add3A_67, %add3A_98 : i32
        %dma_start3A_100 = tpu.memref_slice %arg2[%add3A_99, %mul3A_2] : memref<200x16384xi32, #tpu.memory_space<hbm>> -> memref<1x512xi32, #tpu.memory_space<hbm>>
        %dma_start3A_101 = tpu.memref_squeeze %dma_start3A_100 : memref<1x512xi32, #tpu.memory_space<hbm>> -> memref<512xi32, #tpu.memory_space<hbm>>
        %dma_start3A_102 = tpu.memref_slice %arg2[%add3A_99, %mul3A_2] : memref<200x16384xi32, #tpu.memory_space<hbm>> -> memref<1x512xi32, #tpu.memory_space<hbm>>
        %dma_start3A_103 = tpu.memref_squeeze %dma_start3A_102 : memref<1x512xi32, #tpu.memory_space<hbm>> -> memref<512xi32, #tpu.memory_space<hbm>>
        tpu.enqueue_dma source(%dma_start3A_103 : memref<512xi32, #tpu.memory_space<hbm>>) target(%arg7 : memref<512xi32, #tpu.memory_space<vmem>>) target_semaphore(%arg13 : memref<!tpu.dma_semaphore, #tpu.memory_space<semaphore_mem>>)
      } else {
      }
      %dma_start3A_86 = arith.constant 0 : i32
      %dma_start3A_87 = arith.constant 0 : i32
      %dma_start3A_88 = tpu.memref_slice %arg9[%dma_start3A_86, %dma_start3A_87] : memref<32x513xf32, #tpu.memory_space<vmem>> -> memref<32x512xf32, #tpu.memory_space<vmem>>
      %dma_start3A_89 = arith.constant 0 : i32
      %dma_start3A_90 = tpu.memref_slice %arg4[%add3A_67, %dma_start3A_89, %mul3A_2] : memref<200x32x16384xf32, #tpu.memory_space<hbm>> -> memref<1x32x512xf32, #tpu.memory_space<hbm>>
      %dma_start3A_91 = tpu.memref_squeeze %dma_start3A_90 : memref<1x32x512xf32, #tpu.memory_space<hbm>> -> memref<32x512xf32, #tpu.memory_space<hbm>>
      %dma_start3A_92 = arith.constant 0 : i32
      %dma_start3A_93 = tpu.memref_slice %arg4[%add3A_67, %dma_start3A_92, %mul3A_2] : memref<200x32x16384xf32, #tpu.memory_space<hbm>> -> memref<1x32x512xf32, #tpu.memory_space<hbm>>
      %dma_start3A_94 = tpu.memref_squeeze %dma_start3A_93 : memref<1x32x512xf32, #tpu.memory_space<hbm>> -> memref<32x512xf32, #tpu.memory_space<hbm>>
      %dma_start3A_95 = arith.constant 0 : i32
      %dma_start3A_96 = arith.constant 0 : i32
      %dma_start3A_97 = tpu.memref_slice %arg9[%dma_start3A_95, %dma_start3A_96] : memref<32x513xf32, #tpu.memory_space<vmem>> -> memref<32x512xf32, #tpu.memory_space<vmem>>
      tpu.enqueue_dma source(%dma_start3A_97 : memref<32x512xf32, #tpu.memory_space<vmem>>) target(%dma_start3A_94 : memref<32x512xf32, #tpu.memory_space<hbm>>) target_semaphore(%arg11 : memref<!tpu.dma_semaphore, #tpu.memory_space<semaphore_mem>>)
    }
    %scan3A_10 = arith.constant 100 : i32
    %dma_wait3A = arith.constant 0 : i32
    %dma_wait3A_11 = arith.constant 0 : i32
    %dma_wait3A_12 = arith.constant 0 : i32
    %dma_wait3A_13 = tpu.memref_slice %arg8[%dma_wait3A_11, %dma_wait3A_12] : memref<32x513xf32, #tpu.memory_space<vmem>> -> memref<32x512xf32, #tpu.memory_space<vmem>>
    %dma_wait3A_14 = arith.constant 0 : i32
    %dma_wait3A_15 = tpu.memref_slice %arg4[%dma_wait3A, %dma_wait3A_14, %mul3A_2] : memref<200x32x16384xf32, #tpu.memory_space<hbm>> -> memref<1x32x512xf32, #tpu.memory_space<hbm>>
    %dma_wait3A_16 = tpu.memref_squeeze %dma_wait3A_15 : memref<1x32x512xf32, #tpu.memory_space<hbm>> -> memref<32x512xf32, #tpu.memory_space<hbm>>
    %dma_wait3A_17 = arith.constant 0 : i32
    %dma_wait3A_18 = tpu.memref_slice %arg4[%dma_wait3A, %dma_wait3A_17, %mul3A_2] : memref<200x32x16384xf32, #tpu.memory_space<hbm>> -> memref<1x32x512xf32, #tpu.memory_space<hbm>>
    %dma_wait3A_19 = tpu.memref_squeeze %dma_wait3A_18 : memref<1x32x512xf32, #tpu.memory_space<hbm>> -> memref<32x512xf32, #tpu.memory_space<hbm>>
    %dma_wait3A_20 = arith.constant 0 : i32
    %dma_wait3A_21 = arith.constant 0 : i32
    %dma_wait3A_22 = tpu.memref_slice %arg8[%dma_wait3A_20, %dma_wait3A_21] : memref<32x513xf32, #tpu.memory_space<vmem>> -> memref<32x512xf32, #tpu.memory_space<vmem>>
    tpu.wait_dma2 semaphore(%arg10 : memref<!tpu.dma_semaphore, #tpu.memory_space<semaphore_mem>>) src(%dma_wait3A_22 : memref<32x512xf32, #tpu.memory_space<vmem>>) dst(%dma_wait3A_19 : memref<32x512xf32, #tpu.memory_space<hbm>>)
    %dma_wait3A_23 = arith.constant 0 : i32
    %dma_wait3A_24 = arith.constant 0 : i32
    %dma_wait3A_25 = arith.constant 0 : i32
    %dma_wait3A_26 = tpu.memref_slice %arg9[%dma_wait3A_24, %dma_wait3A_25] : memref<32x513xf32, #tpu.memory_space<vmem>> -> memref<32x512xf32, #tpu.memory_space<vmem>>
    %dma_wait3A_27 = arith.constant 0 : i32
    %dma_wait3A_28 = tpu.memref_slice %arg4[%dma_wait3A_23, %dma_wait3A_27, %mul3A_2] : memref<200x32x16384xf32, #tpu.memory_space<hbm>> -> memref<1x32x512xf32, #tpu.memory_space<hbm>>
    %dma_wait3A_29 = tpu.memref_squeeze %dma_wait3A_28 : memref<1x32x512xf32, #tpu.memory_space<hbm>> -> memref<32x512xf32, #tpu.memory_space<hbm>>
    %dma_wait3A_30 = arith.constant 0 : i32
    %dma_wait3A_31 = tpu.memref_slice %arg4[%dma_wait3A_23, %dma_wait3A_30, %mul3A_2] : memref<200x32x16384xf32, #tpu.memory_space<hbm>> -> memref<1x32x512xf32, #tpu.memory_space<hbm>>
    %dma_wait3A_32 = tpu.memref_squeeze %dma_wait3A_31 : memref<1x32x512xf32, #tpu.memory_space<hbm>> -> memref<32x512xf32, #tpu.memory_space<hbm>>
    %dma_wait3A_33 = arith.constant 0 : i32
    %dma_wait3A_34 = arith.constant 0 : i32
    %dma_wait3A_35 = tpu.memref_slice %arg9[%dma_wait3A_33, %dma_wait3A_34] : memref<32x513xf32, #tpu.memory_space<vmem>> -> memref<32x512xf32, #tpu.memory_space<vmem>>
    tpu.wait_dma2 semaphore(%arg11 : memref<!tpu.dma_semaphore, #tpu.memory_space<semaphore_mem>>) src(%dma_wait3A_35 : memref<32x512xf32, #tpu.memory_space<vmem>>) dst(%dma_wait3A_32 : memref<32x512xf32, #tpu.memory_space<hbm>>)
    return
  }
}

</mosaic_0001>

<sc_bundles>
// kernel: kernel.3.cloned.1.call-start
scs
__scs_entry_jumppad:
0x0: {  	(pc) =	sbr.rel $0x88, $3  }
0x1: {  	(tag) =	ssettag $0x0;
	lr =	simm.s32 $0x1  }
0x2: {  	[smem:$0x3F9F] =	sst lr;
	_ =	strace $0xD0000000  }
0x3: {  	_ = 	snop  }
0x4: {  	_ = 	snop  }
0x5: {  	_ = 	snop  }
0x6: {  	_ = 	snop  }
0x7: {  	_ = 	snop  }
__scs_overlays_trampoline_lowered:
0x8: {  	[smem:$0x3FAE] =	sst s0  }
0x9: {  	[smem:$0x3FAF] =	sst s1  }
0xa: {  	[smem:$0x3FB0] =	sst s2  }
0xb: {  	[smem:$0x3FB1] =	sst s3  }
0xc: {  	[smem:$0x3FB2] =	sst s4  }
0xd: {  	[smem:$0x3FB3] =	sst s5  }
0xe: {  	[smem:$0x3FB4] =	sst s6  }
0xf: {  	[smem:$0x3FB5] =	sst s7  }
0x10: {  	[smem:$0x3FB6] =	sst s8  }
0x11: {  	[smem:$0x3FB7] =	sst s9;
	s0 =	simm.s32 @!p0 $0x0  }
0x12: {  	s1 =	sld [smem:$0x3F9D];
	s0 =	simm.s32 @p0 $0x1  }
0x13: {  	[smem:$0x3FB8] =	sst s0;
	s0 =	simm.s32 @!p1 $0x0  }
0x14: {  	s2 =	sld [smem:$0x3F9C];
	s0 =	simm.s32 @p1 $0x1  }
0x15: {  	[smem:$0x3FB9] =	sst s0;
	s0 =	simm.s32 @!p2 $0x0  }
0x16: {  	s3 =	sld [smem:$0x3FDB];
	s0 =	simm.s32 @p2 $0x1  }
0x17: {  	s4 =	simm.s32 $0x1BF5;
	[smem:$0x3FBB] =	sst s0  }
0x18: {  	s0 =	sld [smem:$0x3F9E];
	_ =	swait.ge [sflag:s4], $0x0  }
0x19: {  	s7 =	sld [smem:$0x3F9F]  }
0x1a: {  	s8 =	sadd.s32 $0xFFFFE003, lr  }
0x1b: {  	s9 =	sadd.s32 $0xFFFFFEF7, lr;
	s5 =	simm.s32 $0xFFFFFFFF;
	p2 =	slt.u32 s8, $0xFFFFF086  }
0x1c: {  	p1 =	slt.u32 s9, $0xF7A;
	s5 =	simm.s32 @!p2 $0x0  }
0x1d: {  	s5 =	simm.s32 @p1 $0x1;
	p0 =	seq.s32 s7, s2  }
0x1e: {  	s7 =	smul.u32 @!p0 $0xF7A, s2;
	p2 =	seq.s32 @!p0 s5, $0x0  }
0x1f: {  	s9 =	smul.u32 $0xF7A, s1;
	s8 =	simm.s32 @!p0 $0x1BF5;
	p2 =	por !p2, p0  }
0x20: {  	[sflag:s8] =	ssyncset.s32 @!p0 $0xFFFFF086;
	s6 =	sadd.s32 @!p0 s3, s7;
	s7 =	simm.s32 @!p0 $0x108  }
0x21: {  	s3 =	sadd.s32 s3, s9;
	s6 =	sadd.s32 @!p0 $0x88, s6;
	s7 =	simm.s32 @p2 $0x1082  }
0x22: {  	[simem:s7], [sflag:s8] =	dma.local @!p0 [hbm:s6], $0xF7A  }
0x23: {  	s9 =	sor.u32 $0xD0000000, s2;
	s6 =	simm.s32 $0x108;
	_ =	swait.ge @!p0 [sflag:s8], $0x0  }
0x24: {  	s3 =	sadd.s32 $0x88, s3;
	s6 =	simm.s32 @!p1 $0x1082;
	[sflag:s4] =	ssyncset.s32 $0xFFFFF086  }
0x25: {  	[simem:s6], [sflag:s4] =	dma.local [hbm:s3], $0xF7A  }
0x26: {  	[smem:$0x3F9F] =	sst s1;
	(tag) =	ssettag s2;
	_ =	strace s9  }
0x27: {  	s1 =	sld [smem:$0x3FAF]  }
0x28: {  	s2 =	sld [smem:$0x3FB0]  }
0x29: {  	s4 =	sld [smem:$0x3FB2]  }
0x2a: {  	p0 =	seq.s32 s5, $0x0;
	s5 =	sld [smem:$0x3FB3]  }
0x2b: {  	s6 =	sld [smem:$0x3FB4]  }
0x2c: {  	s7 =	sld [smem:$0x3FB5]  }
0x2d: {  	s3 =	simm.s32 $0x108;
	s8 =	sld [smem:$0x3FB6]  }
0x2e: {  	s3 =	simm.s32 @!p0 $0x1082;
	s9 =	sld [smem:$0x3FB7]  }
0x2f: {  	lr =	sadd.s32 s0, s3;
	s0 =	sld [smem:$0x3FAE]  }
0x30: {  	s3 =	sld [smem:$0x3FB1]  }
0x31: {  	[smem:$0x3FBA] =	sst s10  }
0x32: {  	s10 =	sld [smem:$0x3FB8];
	_ =	sdelay $0x3  }
0x33: {  	p0 =	seq.s32 s10, $0x1;
	s10 =	sld [smem:$0x3FBA];
	_ =	sdelay $0x3  }
0x34: {  	[smem:$0x3FBA] =	sst s10  }
0x35: {  	s10 =	sld [smem:$0x3FB9];
	_ =	sdelay $0x3  }
0x36: {  	p1 =	seq.s32 s10, $0x1;
	s10 =	sld [smem:$0x3FBA];
	_ =	sdelay $0x3  }
0x37: {  	[smem:$0x3FBA] =	sst s10  }
0x38: {  	s10 =	sld [smem:$0x3FBB]  }
0x39: {  	_ = 	snop;
	(pc) =	sbr.ind lr, $3  }
0x3a: {  	_ = 	snop  }
0x3b: {  	_ = 	snop  }
0x3c: {  	p2 =	seq.s32 s10, $0x1;
	s10 =	sld [smem:$0x3FBA]  }
0x3d: {  	_ =	shalt  }
0x3e: {  	_ =	shalt  }
0x3f: {  	_ =	shalt  }
0x40: {  	_ =	shalt  }
0x41: {  	_ =	shalt  }
0x42: {  	_ =	shalt  }
0x43: {  	_ =	shalt  }
0x44: {  	_ =	shalt  }
0x45: {  	_ =	shalt  }
0x46: {  	_ =	shalt  }
0x47: {  	_ =	shalt  }
0x48: {  	_ =	shalt  }
0x49: {  	_ =	shalt  }
0x4a: {  	_ =	shalt  }
0x4b: {  	_ =	shalt  }
0x4c: {  	_ =	shalt  }
0x4d: {  	_ =	shalt  }
0x4e: {  	_ =	shalt  }
0x4f: {  	_ =	shalt  }
0x50: {  	_ =	shalt  }
0x51: {  	_ =	shalt  }
0x52: {  	_ =	shalt  }
0x53: {  	_ =	shalt  }
0x54: {  	_ =	shalt  }
0x55: {  	_ =	shalt  }
0x56: {  	_ =	shalt  }
0x57: {  	_ =	shalt  }
0x58: {  	_ =	shalt  }
0x59: {  	_ =	shalt  }
0x5a: {  	_ =	shalt  }
0x5b: {  	_ =	shalt  }
0x5c: {  	_ =	shalt  }
0x5d: {  	_ =	shalt  }
0x5e: {  	_ =	shalt  }
0x5f: {  	_ =	shalt  }
0x60: {  	_ =	shalt  }
0x61: {  	_ =	shalt  }
0x62: {  	_ =	shalt  }
0x63: {  	_ =	shalt  }
0x64: {  	_ =	shalt  }
0x65: {  	_ =	shalt  }
0x66: {  	_ =	shalt  }
0x67: {  	_ =	shalt  }
0x68: {  	_ =	shalt  }
0x69: {  	_ =	shalt  }
0x6a: {  	_ =	shalt  }
0x6b: {  	_ =	shalt  }
0x6c: {  	_ =	shalt  }
0x6d: {  	_ =	shalt  }
0x6e: {  	_ =	shalt  }
0x6f: {  	_ =	shalt  }
0x70: {  	_ =	shalt  }
0x71: {  	_ =	shalt  }
0x72: {  	_ =	shalt  }
0x73: {  	_ =	shalt  }
0x74: {  	_ =	shalt  }
0x75: {  	_ =	shalt  }
0x76: {  	_ =	shalt  }
0x77: {  	_ =	shalt  }
0x78: {  	_ =	shalt  }
0x79: {  	_ =	shalt  }
0x7a: {  	_ =	shalt  }
0x7b: {  	_ =	shalt  }
0x7c: {  	_ =	shalt  }
0x7d: {  	_ =	shalt  }
0x7e: {  	_ =	shalt  }
0x7f: {  	_ =	shalt  }
0x80: {  	_ =	shalt  }
0x81: {  	_ =	shalt  }
0x82: {  	_ =	shalt  }
0x83: {  	_ =	shalt  }
0x84: {  	_ =	shalt  }
0x85: {  	_ =	shalt  }
0x86: {  	_ =	shalt  }
0x87: {  	_ =	shalt  }
.Lfunc_end0:
.L_simem_size_0:
called_computation_lowered:
.L_overlay_start_0:
0x88: {  	s2 =	sld [smem:$0x3FD9]  }
0x89: {  	s3 =	sld [smem:$0x3FFE];
	_ =	sdelay $0x1  }
0x8a: {  	s1 =	srdreg.scid  }
0x8b: {  	s0 =	sand.u32 $0x1, s1  }
0x8c: {  	s17 =	sshll.u32 s0, $0xA;
	s2 =	sadd.s32 s3, s2  }
0x8d: {  	s2 =	sadd.s32 s2, s17  }
0x8e: {  	[smem:$0x3FC6] =	sst s2  }
0x8f: {  	_ = 	snop  }
0x90: {  	s2 =	sld [smem:$0x3FD0];
	(tm) =	ssettm $0x1  }
0x91: {  	s18 =	sld [smem:$0x3FFB];
	_ =	sdelay $0x3  }
0x92: {  	_ =	strace s18  }
0x93: {  	s3 =	sld [smem:$0x3FFC];
	_ =	sdelay $0x3  }
0x94: {  	_ =	strace s3  }
0x95: {  	s3 =	sld [smem:$0x3FFD];
	_ =	sdelay $0x3  }
0x96: {  	_ =	strace s3  }
0x97: {  	_ =	strace $0x8FFFFFFF  }
0x98: {  	s19 =	sld [smem:$0x3FDB];
	_ =	sdelay $0x1  }
0x99: {  	s4 =	simm.s32 $_scs_section_size  }
0x9a: {  	s5 =	simm.s32 $_size__tile_overlayer_lowered;
	s6 =	simm.s32 $_tile_overlayer_lowered  }
0x9b: {  	s22 =	simm.s32 $0x1BFF;
	s21 =	sshll.u32 s6, $0x1;
	s3 =	sadd.s32 s4, s19  }
0x9c: {  	s7 =	simm.s32 $0x0;
	s20 =	sshll.u32 s5, $0x1;
	s5 =	sadd.s32 s21, s3  }
0x9d: {  	[timem:s7], [sflag:s22] =	dma.local [hbm:s5], s20  }
0x9e: {  	_ =	swait.ge [sflag:s22], s20  }
0x9f: {  	s4 =	ssub.s32 $0x0, s20;
	[sflag:s22] =	ssyncset.done $0x0  }
0xa0: {  	[sflag:s22] =	ssyncadd.s32 s4;
	_ =	sdelay $0x1  }
0xa1: {  	s23 =	simm.s32 $0x1B8B  }
0xa2: {  	_ =	swait.ge [sflag:s23], $0x1  }
0xa3: {  	[sflag:s23] =	ssyncset.done $0x0  }
0xa4: {  	s25 =	simm.s32 $0x1B8E;
	s24 =	sld [smem:$0x3FFE];
	[sflag:s23] =	ssyncadd.s32 $0xFFFFFFFF  }
0xa5: {  	s26 =	simm.s32 $execute0_lowered;
	[smem:$0x3FD2] =	sst s25  }
0xa6: {  	s5 =	sshll.u32 s26, $0x1;
	_ =	strace $0x80000046;
	[dreg:$0x1] =	wrdreg $0xFFFFFFFF  }
0xa7: {  	s28 =	simm.s32 $_size_execute0_lowered;
	s3 =	sadd.s32 s3, s5;
	[dreg:$0x0] =	wrdreg $0x0  }
0xa8: {  	s5 =	sshll.u32 s28, $0x1;
	[dreg:$0x2] =	wrdreg s3  }
0xa9: {  	[dreg:$0x3] =	wrdreg s5  }
0xaa: {  	[dreg:$0x4] =	wrdreg $0xC0  }
0xab: {  	_ =	task [dreg:s7], $0x5FFFF  }
0xac: {  	[dreg:$0x1] =	wrdreg $0xFFFFFFFF  }
0xad: {  	[dreg:$0x0] =	wrdreg $0x60  }
0xae: {  	[dreg:$0x2] =	wrdreg s2  }
0xaf: {  	[dreg:$0x3] =	wrdreg s24  }
0xb0: {  	[dreg:$0x4] =	wrdreg $0x9  }
0xb1: {  	_ =	task.clear_ibuf [dreg:s7], $0x5FFFF;
	_ =	strace $0x90000046  }
0xb2: {  	s29 =	simm.s32 $0x9;
	_ =	strace $0x80000048  }
0xb3: {  	_ =	swait.ge [sflag:s29], $0x1  }
0xb4: {  	[sflag:s29] =	ssyncadd.s32 $0xFFFFFFFF  }
0xb5: {  	_ =	strace $0x90000048  }
0xb6: {  	_ =	sfence  }
0xb7: {  	s30 =	sld [smem:$0x0];
	_ =	sdelay $0x2  }
0xb8: {  	s31 =	sshll.u32 s1, $0xD;
	s1 =	sshrl.u32 s1, $0x2  }
0xb9: {  	s3 =	sand.u32 $0x4000, s31;
	s1 =	sadd.s32 s1, s30  }
0xba: {  	s0 =	sor.u32 s3, s0;
	s1 =	sshll.u32 s1, $0x11  }
0xbb: {  	s0 =	sor.u32 s1, s0  }
0xbc: {  	s0 =	sadd.s32 $0x8F2B, s0  }
0xbd: {  	[sflag:s0] =	ssyncadd.remote.s32 $0x1  }
0xbe: {  	_ =	sfence.sel $0xFFFF  }
0xbf: {  	[dreg:$0x0] =	wrdreg $0xFFFFFFFF;
	(pc) =	sbr.abs _section_cstart, $3  }
0xc0: {  	[dreg:$0x1] =	wrdreg $0xFFFFFFFF  }
0xc1: {  	_ =	task.clear_ibuf [dreg:s7], $0x2FFFF;
	_ =	strace $0x9FFFFFFF  }
0xc2: {  	(tm) =	ssettm $0x7FFFFFFF  }
0xc3: {  	_ =	shalt  }
tec
execute0_lowered:
.L_overlay_start_1:
0x0: {  	(tag) =	ssettag $0x1  }
0x1: {  	v0 =	vlaneseq.u32  }
0x2: {  	s0 =	rddreg [dreg:$0x0];
	s2 =	simm.s32 $0x0;
	v8 =	vmul.u32 $0x208, v0  }
0x3: {  	[smem:$0x7FF] =	sst s2  }
0x4: {  	s1 =	rddreg [dreg:$0x1];
	_ =	strace $0x80000047;
	v10 =	vadd.s32 $0x2080, v8;
	[tilespmem:$0x1FF00] =	vst v8  }
0x5: {  	v11 =	vor.u32 $0x1, v8;
	[tilespmem:$0x1FF10] =	vst v10  }
0x6: {  	v13 =	vadd.s32 $0x2081, v8;
	[tilespmem:$0x1FF20] =	vst v11  }
0x7: {  	v34 =	vor.u32 $0x2, v8;
	[tilespmem:$0x1FF30] =	vst v13  }
0x8: {  	v14 =	vadd.s32 $0x2082, v8;
	[tilespmem:$0x1FF40] =	vst v34  }
0x9: {  	v50 =	vor.u32 $0x3, v8;
	[tilespmem:$0x1FF50] =	vst v14  }
0xa: {  	v25 =	vadd.s32 $0x2085, v8;
	[tilespmem:$0x1FF60] =	vst v50  }
0xb: {  	s3 =	srdreg.scid;
	v22 =	vadd.s32 $0x2086, v8;
	[tilespmem:$0x1FF70] =	vst v25  }
0xc: {  	s5 =	stileid.u32;
	s14 =	simm.s32 $0x8100;
	s15 =	simm.s32 $0xC200;
	v32 =	vadd.s32 $0x2083, v8;
	[tilespmem:$0x1FF80] =	vst v22  }
0xd: {  	v1 =	vimm.s32 $0x0;
	vm0 =	vcmask $0x300;
	s16 =	simm.s32 $0x1;
	s17 =	simm.s32 $0x2;
	s18 =	simm.s32 $0x0;
	v26 =	vor.u32 $0x7, v8;
	[tilespmem:$0x1FF90] =	vst v32  }
0xe: {  	v31 =	vimm.s32 $0x1;
	v33 =	vimm.s32 $0x2;
	s3 =	sand.u32 $0x1, s3;
	s5 =	sshll.u32 s5, $0xA;
	s6 =	sadd.s32 $0x400, s1;
	v23 =	vor.u32 $0x6, v8;
	[tilespmem:$0x1FFA0] =	vst v26  }
0xf: {  	v39 =	vimm.s32 $0x3;
	v48 =	vimm.s32 $0x4;
	s11 =	sadd.s32 $0x11400, s1;
	s4 =	ssub.s32 $0x2, s3;
	s3 =	sshll.u32 s3, $0x9;
	v17 =	vadd.s32 $0x2087, v8;
	[tilespmem:$0x1FFB0] =	vst v23  }
0x10: {  	v51 =	vimm.s32 $0x5;
	v53 =	vimm.s32 $0x6;
	[dreg:$0x3] =	wrdreg s6;
	v7 =	vor.u32 $0x4, v8;
	s7 =	sshrl.u32 s4, $0x1;
	s5 =	sor.u32 s3, s5;
	[tilespmem:$0x1FFC0] =	vst v17  }
0x11: {  	v30 =	vimm.s32 $0x7;
	v2 =	vimm.s32 $0x8;
	s6 =	sadd.s32 $0x1400, s1;
	v20 =	vor.u32 $0x5, v8;
	s29 =	ssub.s32 s4, s7;
	s30 =	sshrl.u32 s5, $0x3;
	[tilespmem:$0x1FFD0] =	vst v7  }
0x12: {  	v5 =	vimm.s32 $0x9;
	v28 =	vimm.s32 $0xA;
	v19 =	vadd.s32 $0x2084, v8;
	s7 =	sor.u32 $0x8000, s5;
	[tilespmem:$0x1FFE0] =	vst v20;
	s9 =	sadd.s32 s0, s30;
	s31 =	smax.u32 s29, $0x1  }
0x13: {  	v29 =	vimm.s32 $0xB;
	v3 =	vor.u32 $0x10, v0;
	v4 =	vsel vm0, $0x3, v1;
	s8 =	sor.u32 $0xC000, s5;
	[tilespmem:$0x1FFF0] =	vst v19;
	s10 =	sadd.s32 $0x800, s9;
	[dreg:$0x4] =	wrdreg s31  }
.LBB2_1:
0x14: {  	s1 =	rddreg [dreg:$0x3];
	s31 =	simm.s32 $0x5  }
0x15: {  	[tilespmem:s2], [sflag:$0x5] =	stream.linear.gather [hbm4b:s1+s2], $0x7D00, $0x38;
	[tilespmem:$0x10300] =	vst v63  }
0x16: {  	_ =	swait.ge [sflag:s31], $0x7D00  }
0x17: {  	[sflag:s31] =	ssyncset.done $0x0  }
0x18: {  	s19 =	simm.s32 $0x0;
	[sflag:s31] =	ssyncadd.s32 $0xFFFF8300  }
.LBB2_2:
0x19: {  	p0 =	seq.s32 s19, $0x0  }
0x1a: {  	s1 =	simm.s32 @p0 $0x0;
	s3 =	simm.s32 @p0 $0x7D00  }
0x1b: {  	[tilespmem:s3], [sflag:$0x5] =	stream.linear.gather @p0 [hbm4b:s9+s1], $0x200, $0x38;
	[tilespmem:$0x10300] =	vst v63  }
0x1c: {  	s1 =	simm.s32 @!p0 $0x1  }
0x1d: {  	_ =	swait.ge @!p0 [sflag:s1], $0x4000  }
0x1e: {  	s3 =	simm.s32 @!p0 $0x3;
	[sflag:s1] =	ssyncset.done @!p0 $0x0  }
0x1f: {  	s3 =	simm.s32 @p0 $0x5;
	[sflag:s1] =	ssyncadd.s32 @!p0 $0xFFFFC000  }
0x20: {  	_ =	swait.ge [sflag:s3], $0x200  }
0x21: {  	[sflag:s3] =	ssyncset.done $0x0  }
0x22: {  	s24 =	simm.s32 $0x7D10;
	[sflag:s3] =	ssyncadd.s32 $0xFFFFFE00  }
0x23: {  	v35 =	vld [tilespmem:s24+$0x0];
	_ =	sdelay $0x4  }
0x24: {  	v1 =	vperm.xlane v35, v1;
	_ =	sdelay $0x1  }
0x25: {  	s25 =	simm.s32 $0x10;
	v1 =	vshll.u32 v1, $0x5  }
0x26: {  	v9 =	vmov s25;
	v6 =	vor.u32 v0, v1  }
0x27: {  	v9 =	vshrl.u32 v9, $0x3;
	v1 =	vor.u32 v3, v1  }
0x28: {  	v9 =	vshll.u32 v9, v4  }
0x29: {  	v9 =	vbroadcast v9, $0x0  }
0x2a: {  	v36 =	vld [tilespmem:s24+$0xFFFFFFF0];
	v12 =	vperm.xlane v35, v31  }
0x2b: {  	v15 =	vadd.s32 v8, v9;
	v6 =	vld.idx.msk [tilespmem:v6+s2+$0x0], $0xffff  }
0x2c: {  	s26 =	simm.s32 $0x11;
	v9 =	vadd.s32 v10, v9;
	v12 =	vshll.u32 v12, $0x5;
	v1 =	vld.idx.msk [tilespmem:v1+s2+$0x0], $0xffff  }
0x2d: {  	v21 =	vmov s26;
	v18 =	vor.u32 v0, v12  }
0x2e: {  	v21 =	vshrl.u32 v21, $0x3;
	v12 =	vor.u32 v3, v12  }
0x2f: {  	v24 =	vimm.s32 $0x0;
	v21 =	vshll.u32 v21, v4  }
0x30: {  	v24 =	vperm.xlane v36, v24;
	[tilespmem:v15+s14+$0x0] =	vst.idx.msk $0xffff, v6;
	v6 =	vbroadcast v21, $0x0  }
0x31: {  	[tilespmem:v9+s14+$0x0] =	vst.idx.msk $0xffff, v1  }
0x32: {  	s28 =	simm.s32 $0x0;
	v15 =	vshll.u32 v24, $0x5;
	v1 =	vperm.xlane v35, v33;
	v18 =	vld.idx.msk [tilespmem:v18+s2+$0x0], $0xffff;
	v21 =	vadd.s32 v11, v6  }
0x33: {  	v24 =	vmov s28;
	v9 =	vor.u32 v0, v15;
	v12 =	vld.idx.msk [tilespmem:v12+s2+$0x0], $0xffff;
	v6 =	vadd.s32 v13, v6  }
0x34: {  	s29 =	simm.s32 $0x12;
	v24 =	vshrl.u32 v24, $0x3;
	v1 =	vshll.u32 v1, $0x5  }
0x35: {  	v37 =	vmov s29;
	v24 =	vshll.u32 v24, v4;
	v27 =	vor.u32 v0, v1  }
0x36: {  	v37 =	vshrl.u32 v37, $0x3;
	v38 =	vor.u32 v3, v1;
	v1 =	vbroadcast v24, $0x0  }
0x37: {  	v15 =	vor.u32 v3, v15;
	v24 =	vshll.u32 v37, v4;
	[tilespmem:v21+s14+$0x0] =	vst.idx.msk $0xffff, v18  }
0x38: {  	v9 =	vld.idx.msk [tilespmem:v9+s2+$0x0], $0xffff;
	v18 =	vbroadcast v24, $0x0;
	[tilespmem:v6+s14+$0x0] =	vst.idx.msk $0xffff, v12;
	v6 =	vadd.s32 v8, v1  }
0x39: {  	s30 =	simm.s32 $0x8;
	v21 =	vperm.xlane v35, v39  }
0x3a: {  	v43 =	vimm.s32 $0x3;
	v56 =	vmov s30;
	v12 =	vld.idx.msk [tilespmem:v27+s2+$0x0], $0xffff;
	v24 =	vadd.s32 v34, v18  }
0x3b: {  	s31 =	simm.s32 $0x13;
	v54 =	vperm.xlane v36, v31;
	v27 =	vld.idx.msk [tilespmem:v38+s2+$0x0], $0xffff;
	v18 =	vadd.s32 v14, v18;
	v21 =	vshll.u32 v21, $0x5  }
0x3c: {  	v41 =	vmov s31;
	v15 =	vld.idx.msk [tilespmem:v15+s2+$0x0], $0xffff;
	v55 =	vadd.s32 v10, v1;
	v40 =	vor.u32 v0, v21  }
0x3d: {  	s4 =	simm.s32 $0xA;
	v37 =	vshll.u32 v54, $0x5;
	v21 =	vor.u32 v3, v21;
	[tilespmem:v6+s14+$0x0] =	vst.idx.msk $0xffff, v9;
	v6 =	vshrl.u32 v41, $0x3  }
0x3e: {  	v42 =	vmov s4;
	v57 =	vor.u32 v0, v37;
	v6 =	vshll.u32 v6, v4  }
0x3f: {  	s12 =	simm.s32 $0x14;
	[tilespmem:v24+s14+$0x0] =	vst.idx.msk $0xffff, v12;
	v12 =	vor.u32 v3, v37;
	v24 =	vperm.xlane v36, v33;
	v6 =	vbroadcast v6, $0x0  }
0x40: {  	s13 =	simm.s32 $0xB;
	v45 =	vmov s12;
	v59 =	vperm.xlane v35, v48;
	v43 =	vperm.xlane v36, v43;
	[tilespmem:v18+s14+$0x0] =	vst.idx.msk $0xffff, v27  }
0x41: {  	v62 =	vmov s13;
	[tilespmem:v55+s14+$0x0] =	vst.idx.msk $0xffff, v15;
	v15 =	vshll.u32 v24, $0x5;
	v24 =	vld.idx.msk [tilespmem:v40+s2+$0x0], $0xffff;
	v60 =	vadd.s32 v50, v6  }
0x42: {  	v45 =	vshrl.u32 v45, $0x3;
	v43 =	vshll.u32 v43, $0x5;
	v21 =	vld.idx.msk [tilespmem:v21+s2+$0x0], $0xffff;
	v6 =	vadd.s32 v32, v6  }
0x43: {  	v54 =	vperm.xlane v36, v30;
	v38 =	vshll.u32 v59, $0x5;
	v18 =	vadd.s32 v11, v1;
	v41 =	vld.idx.msk [tilespmem:v57+s2+$0x0], $0xffff  }
0x44: {  	v58 =	vadd.s32 v13, v1;
	v46 =	vadd.s32 v34, v1;
	v44 =	vor.u32 v0, v38;
	v12 =	vld.idx.msk [tilespmem:v12+s2+$0x0], $0xffff  }
0x45: {  	v47 =	vadd.s32 v14, v1;
	v38 =	vor.u32 v3, v38;
	v61 =	vor.u32 v0, v15  }
0x46: {  	v54 =	vshll.u32 v54, $0x5;
	v15 =	vor.u32 v3, v15;
	[tilespmem:v60+s14+$0x0] =	vst.idx.msk $0xffff, v24;
	v24 =	vshll.u32 v45, v4  }
0x47: {  	v39 =	vor.u32 v0, v43;
	v43 =	vor.u32 v3, v43;
	[tilespmem:v6+s14+$0x0] =	vst.idx.msk $0xffff, v21;
	v6 =	vbroadcast v24, $0x0  }
0x48: {  	s3 =	simm.s32 $0x9;
	v59 =	vperm.xlane v36, v53;
	v55 =	vperm.xlane v35, v51;
	v27 =	vshrl.u32 v56, $0x3;
	[tilespmem:v18+s14+$0x0] =	vst.idx.msk $0xffff, v41  }
0x49: {  	v9 =	vmov s3;
	v27 =	vshll.u32 v27, v4;
	v63 =	vld.idx.msk [tilespmem:v44+s2+$0x0], $0xffff;
	[tilespmem:v58+s14+$0x0] =	vst.idx.msk $0xffff, v12;
	v12 =	vadd.s32 v7, v6  }
0x4a: {  	s20 =	simm.s32 $0x15;
	v18 =	vadd.s32 v50, v1;
	v21 =	vshrl.u32 v42, $0x3;
	v56 =	vld.idx.msk [tilespmem:v38+s2+$0x0], $0xffff;
	v6 =	vadd.s32 v19, v6  }
0x4b: {  	v24 =	vperm.xlane v36, v48;
	v44 =	vshll.u32 v55, $0x5;
	v57 =	vld.idx.msk [tilespmem:v15+s2+$0x0], $0xffff;
	v15 =	vmov s20  }
0x4c: {  	v40 =	vld.idx.msk [tilespmem:v61+s2+$0x0], $0xffff;
	v49 =	vor.u32 v0, v44;
	v52 =	vshrl.u32 v15, $0x3;
	v15 =	vshrl.u32 v62, $0x3  }
0x4d: {  	v42 =	vadd.s32 v19, v1;
	v48 =	vadd.s32 v20, v1;
	v44 =	vor.u32 v3, v44;
	[tilespmem:$0x1FEF0] =	vst v15  }
0x4e: {  	v9 =	vshrl.u32 v9, $0x3;
	v38 =	vadd.s32 v32, v1;
	[tilespmem:v12+s14+$0x0] =	vst.idx.msk $0xffff, v63;
	v12 =	vshll.u32 v52, v4  }
0x4f: {  	s22 =	simm.s32 $0x16;
	v58 =	vperm.xlane v36, v51;
	v51 =	vadd.s32 v7, v1;
	[tilespmem:v6+s14+$0x0] =	vst.idx.msk $0xffff, v56;
	v6 =	vbroadcast v12, $0x0  }
0x50: {  	v55 =	vmov s22;
	v21 =	vshll.u32 v21, v4;
	v61 =	vperm.xlane v35, v53  }
0x51: {  	v24 =	vshll.u32 v24, $0x5;
	v55 =	vshrl.u32 v55, $0x3;
	[tilespmem:v46+s14+$0x0] =	vst.idx.msk $0xffff, v40;
	v60 =	vld.idx.msk [tilespmem:v49+s2+$0x0], $0xffff;
	v62 =	vadd.s32 v20, v6  }
0x52: {  	v45 =	vor.u32 v0, v24;
	[tilespmem:v47+s14+$0x0] =	vst.idx.msk $0xffff, v57;
	v44 =	vld.idx.msk [tilespmem:v44+s2+$0x0], $0xffff;
	v6 =	vadd.s32 v25, v6  }
0x53: {  	v50 =	vshll.u32 v58, $0x5;
	v46 =	vshll.u32 v61, $0x5;
	v12 =	vshll.u32 v59, $0x5;
	v39 =	vld.idx.msk [tilespmem:v39+s2+$0x0], $0xffff  }
0x54: {  	v63 =	vor.u32 v0, v46;
	v52 =	vor.u32 v0, v12;
	v53 =	vor.u32 v3, v12;
	v12 =	vld.idx.msk [tilespmem:v43+s2+$0x0], $0xffff  }
0x55: {  	v24 =	vor.u32 v3, v24;
	v58 =	vshll.u32 v55, v4;
	v37 =	vor.u32 v0, v50  }
0x56: {  	s21 =	simm.s32 $0xC;
	v27 =	vbroadcast v27, $0x0;
	v15 =	vadd.s32 v26, v1;
	v46 =	vor.u32 v3, v46;
	[tilespmem:v62+s14+$0x0] =	vst.idx.msk $0xffff, v60  }
0x57: {  	v40 =	vmov s21;
	v56 =	vadd.s32 v23, v1;
	[tilespmem:v6+s14+$0x0] =	vst.idx.msk $0xffff, v44;
	v6 =	vbroadcast v58, $0x0  }
0x58: {  	v40 =	vshrl.u32 v40, $0x3;
	v57 =	vperm.xlane v36, v2;
	v47 =	vadd.s32 v22, v1;
	[tilespmem:v18+s14+$0x0] =	vst.idx.msk $0xffff, v39  }
0x59: {  	v18 =	vperm.xlane v35, v30;
	[tilespmem:v38+s14+$0x0] =	vst.idx.msk $0xffff, v12;
	v43 =	vld.idx.msk [tilespmem:v63+s2+$0x0], $0xffff;
	v61 =	vadd.s32 v23, v6  }
0x5a: {  	v49 =	vadd.s32 v25, v1;
	v23 =	vadd.s32 v17, v1;
	v1 =	vadd.s32 v22, v6;
	v6 =	vld.idx.msk [tilespmem:v45+s2+$0x0], $0xffff  }
0x5b: {  	s24 =	simm.s32 $0x17;
	v50 =	vor.u32 v3, v50;
	v40 =	vshll.u32 v40, v4;
	v62 =	vshll.u32 v18, $0x5;
	v46 =	vld.idx.msk [tilespmem:v46+s2+$0x0], $0xffff  }
0x5c: {  	s23 =	simm.s32 $0xD;
	v59 =	vshll.u32 v57, $0x5;
	v24 =	vld.idx.msk [tilespmem:v24+s2+$0x0], $0xffff;
	v39 =	vor.u32 v0, v62;
	v63 =	vmov s24  }
0x5d: {  	v60 =	vmov s23;
	v18 =	vor.u32 v0, v59;
	v55 =	vshrl.u32 v63, $0x3  }
0x5e: {  	v12 =	vshrl.u32 v60, $0x3;
	v45 =	vor.u32 v3, v62;
	v58 =	vshll.u32 v55, v4;
	[tilespmem:v61+s14+$0x0] =	vst.idx.msk $0xffff, v43  }
0x5f: {  	v60 =	vadd.s32 v8, v27;
	v22 =	vor.u32 v3, v59;
	v38 =	vbroadcast v58, $0x0;
	[tilespmem:v51+s14+$0x0] =	vst.idx.msk $0xffff, v6  }
0x60: {  	v21 =	vbroadcast v21, $0x0;
	v59 =	vshll.u32 v9, v4;
	v9 =	vadd.s32 v10, v27;
	[tilespmem:v1+s14+$0x0] =	vst.idx.msk $0xffff, v46  }
0x61: {  	v27 =	vperm.xlane v35, v2;
	[tilespmem:v42+s14+$0x0] =	vst.idx.msk $0xffff, v24;
	v24 =	vadd.s32 v26, v38;
	v39 =	vld.idx.msk [tilespmem:v39+s2+$0x0], $0xffff  }
0x62: {  	v41 =	vor.u32 v0, v54;
	v57 =	vperm.xlane v36, v5;
	v40 =	vbroadcast v40, $0x0;
	v37 =	vld.idx.msk [tilespmem:v37+s2+$0x0], $0xffff  }
0x63: {  	v44 =	vor.u32 v3, v54;
	v27 =	vshll.u32 v27, $0x5;
	v38 =	vadd.s32 v17, v38;
	v54 =	vld.idx.msk [tilespmem:v45+s2+$0x0], $0xffff  }
0x64: {  	s25 =	simm.s32 $0x18;
	v12 =	vshll.u32 v12, v4;
	v63 =	vshll.u32 v57, $0x5;
	v55 =	vor.u32 v0, v27;
	v50 =	vld.idx.msk [tilespmem:v50+s2+$0x0], $0xffff  }
0x65: {  	v57 =	vadd.s32 v34, v21;
	v58 =	vmov s25;
	v27 =	vor.u32 v3, v27  }
0x66: {  	v6 =	vor.u32 v3, v63;
	v43 =	vbroadcast v59, $0x0;
	v46 =	vshrl.u32 v58, $0x3;
	[tilespmem:v24+s14+$0x0] =	vst.idx.msk $0xffff, v39  }
0x67: {  	v12 =	vbroadcast v12, $0x0;
	v59 =	vperm.xlane v36, v28;
	v46 =	vshll.u32 v46, v4;
	[tilespmem:v48+s14+$0x0] =	vst.idx.msk $0xffff, v37  }
0x68: {  	s28 =	simm.s32 $0x19;
	v1 =	vor.u32 v0, v63;
	v61 =	vadd.s32 v11, v43;
	v24 =	vbroadcast v46, $0x0;
	[tilespmem:v38+s14+$0x0] =	vst.idx.msk $0xffff, v54  }
0x69: {  	v58 =	vmov s28;
	v51 =	vshll.u32 v59, $0x5;
	v59 =	vadd.s32 v13, v43;
	[tilespmem:v49+s14+$0x0] =	vst.idx.msk $0xffff, v50;
	v37 =	vld.idx.msk [tilespmem:v55+s2+$0x0], $0xffff  }
0x6a: {  	s26 =	simm.s32 $0xE;
	v63 =	vor.u32 v0, v51;
	v54 =	vperm.xlane v35, v5;
	v42 =	vadd.s32 v8, v24;
	v2 =	vld [tilespmem:$0x1FEF0]  }
0x6b: {  	v62 =	vor.u32 v3, v51;
	v39 =	vmov s26;
	v46 =	vshrl.u32 v58, $0x3;
	v48 =	vld.idx.msk [tilespmem:v52+s2+$0x0], $0xffff  }
0x6c: {  	v55 =	vperm.xlane v36, v29;
	v27 =	vld.idx.msk [tilespmem:v27+s2+$0x0], $0xffff;
	v24 =	vadd.s32 v10, v24;
	v38 =	vshll.u32 v54, $0x5  }
0x6d: {  	v58 =	vadd.s32 v14, v21;
	v21 =	vshll.u32 v46, v4;
	v49 =	vld.idx.msk [tilespmem:v53+s2+$0x0], $0xffff;
	v45 =	vor.u32 v0, v38  }
0x6e: {  	v21 =	vbroadcast v21, $0x0;
	v43 =	vshll.u32 v55, $0x5;
	v38 =	vor.u32 v3, v38  }
0x6f: {  	s29 =	simm.s32 $0xF;
	v50 =	vld [tilespmem:$0x1FF60];
	v55 =	vor.u32 v0, v43;
	v52 =	vshll.u32 v2, v4;
	[tilespmem:v42+s14+$0x0] =	vst.idx.msk $0xffff, v37;
	v2 =	vimm.s32 $0xC  }
0x70: {  	s30 =	simm.s32 $0x1A;
	v54 =	vor.u32 v3, v43;
	v37 =	vmov s29;
	[tilespmem:v56+s14+$0x0] =	vst.idx.msk $0xffff, v48;
	v53 =	vperm.xlane v36, v2  }
0x71: {  	v48 =	vmov s30;
	[tilespmem:v24+s14+$0x0] =	vst.idx.msk $0xffff, v27;
	v24 =	vperm.xlane v35, v28;
	v27 =	vbroadcast v52, $0x0  }
0x72: {  	v2 =	vimm.s32 $0xD;
	[tilespmem:v47+s14+$0x0] =	vst.idx.msk $0xffff, v49;
	v49 =	vperm.xlane v35, v29;
	v43 =	vld.idx.msk [tilespmem:v45+s2+$0x0], $0xffff;
	v45 =	vadd.s32 v11, v21  }
0x73: {  	v38 =	vld.idx.msk [tilespmem:v38+s2+$0x0], $0xffff;
	v21 =	vadd.s32 v13, v21;
	v46 =	vperm.xlane v36, v2;
	v24 =	vshll.u32 v24, $0x5  }
0x74: {  	v2 =	vimm.s32 $0xE;
	v42 =	vshll.u32 v53, $0x5;
	v47 =	vor.u32 v0, v24  }
0x75: {  	v16 =	vmovc v20;
	v56 =	vadd.s32 v50, v27;
	v53 =	vadd.s32 v32, v27;
	v32 =	vshrl.u32 v48, $0x3  }
0x76: {  	v27 =	vld.idx.msk [tilespmem:v41+s2+$0x0], $0xffff;
	v48 =	vadd.s32 v7, v40;
	v51 =	vor.u32 v0, v42;
	v41 =	vshll.u32 v32, v4  }
0x77: {  	v44 =	vld.idx.msk [tilespmem:v44+s2+$0x0], $0xffff;
	v52 =	vor.u32 v3, v42;
	v32 =	vshll.u32 v46, $0x5;
	[tilespmem:v45+s14+$0x0] =	vst.idx.msk $0xffff, v43;
	v43 =	vbroadcast v41, $0x0  }
0x78: {  	v49 =	vshll.u32 v49, $0x5;
	v24 =	vor.u32 v3, v24;
	v42 =	vor.u32 v3, v32;
	[tilespmem:v21+s14+$0x0] =	vst.idx.msk $0xffff, v38  }
0x79: {  	v45 =	vadd.s32 v19, v40;
	v41 =	vor.u32 v0, v32;
	v38 =	vld.idx.msk [tilespmem:v47+s2+$0x0], $0xffff;
	v46 =	vadd.s32 v34, v43  }
0x7a: {  	s31 =	simm.s32 $0x1B;
	v40 =	vadd.s32 v16, v12;
	v21 =	vshrl.u32 v39, $0x3;
	v47 =	vperm.xlane v36, v2  }
0x7b: {  	[tilespmem:v15+s14+$0x0] =	vst.idx.msk $0xffff, v27;
	v15 =	vshrl.u32 v37, $0x3;
	v39 =	vadd.s32 v25, v12;
	v12 =	vmov s31  }
0x7c: {  	[tilespmem:v23+s14+$0x0] =	vst.idx.msk $0xffff, v44;
	v27 =	vadd.s32 v14, v43;
	v43 =	vor.u32 v0, v49;
	v32 =	vshll.u32 v47, $0x5  }
0x7d: {  	v24 =	vld.idx.msk [tilespmem:v24+s2+$0x0], $0xffff;
	v44 =	vor.u32 v3, v49;
	v12 =	vshrl.u32 v12, $0x3;
	v37 =	vor.u32 v0, v32  }
0x7e: {  	s22 =	simm.s32 $0x1F;
	s20 =	simm.s32 $0x1F;
	v2 =	vimm.s32 $0xF;
	[tilespmem:v46+s14+$0x0] =	vst.idx.msk $0xffff, v38;
	v46 =	vld.idx.msk [tilespmem:v18+s2+$0x0], $0xffff;
	v38 =	vor.u32 v3, v32;
	v18 =	vshll.u32 v21, v4  }
0x7f: {  	s21 =	sshll.u32 s19, $0x14;
	s23 =	simm.s32 $0x0;
	s24 =	simm.s32 $0x7D30;
	v47 =	vld.idx.msk [tilespmem:v22+s2+$0x0], $0xffff;
	v21 =	vperm.xlane v36, v2;
	v36 =	vshll.u32 v12, v4;
	v18 =	vbroadcast v18, $0x0  }
.LBB2_3:
0x80: {  	v12 =	vld [tilespmem:s24+$0x0]  }
0x81: {  	v26 =	vld [tilespmem:$0x1FFB0]  }
0x82: {  	v23 =	vld [tilespmem:$0x1FF80]  }
0x83: {  	v16 =	vld [tilespmem:$0x1FFA0]  }
0x84: {  	[tilespmem:v27+s14+$0x0] =	vst.idx.msk $0xffff, v24;
	v17 =	vld [tilespmem:$0x1FFC0]  }
0x85: {  	v8 =	vld [tilespmem:$0x1FFF0];
	[tilespmem:v60+s14+$0x0] =	vst.idx.msk $0xffff, v46  }
0x86: {  	v24 =	vbroadcast v36, $0x0;
	[tilespmem:v9+s14+$0x0] =	vst.idx.msk $0xffff, v47;
	v47 =	vld [tilespmem:$0x1FF90]  }
0x87: {  	v10 =	vld [tilespmem:$0x1FF00]  }
0x88: {  	v15 =	vshll.u32 v15, v4;
	v2 =	vimm.s32 $0xC;
	v27 =	vld.idx.msk [tilespmem:v43+s2+$0x0], $0xffff;
	v32 =	vadd.s32 v50, v24  }
0x89: {  	v5 =	vimm.s32 $0x3;
	v15 =	vbroadcast v15, $0x0;
	v43 =	vperm.xlane v35, v2;
	v1 =	vld.idx.msk [tilespmem:v1+s2+$0x0], $0xffff  }
0x8a: {  	v21 =	vshll.u32 v21, $0x5;
	v49 =	vadd.s32 v26, v18;
	v50 =	vadd.s32 v23, v18;
	v6 =	vld.idx.msk [tilespmem:v6+s2+$0x0], $0xffff  }
0x8b: {  	v9 =	vld.idx.msk [tilespmem:v44+s2+$0x0], $0xffff;
	v2 =	vadd.s32 v16, v15;
	v18 =	vadd.s32 v47, v24;
	v24 =	vshll.u32 v43, $0x5  }
0x8c: {  	s1 =	sadd.s32 $0xFFFFFFFD, s22;
	v19 =	vor.u32 v0, v21;
	v46 =	vor.u32 v3, v21;
	v36 =	vld [tilespmem:s24+$0xFFFFFFF0];
	[tilespmem:$0x1FEE0] =	vst v2;
	v21 =	vor.u32 v0, v24  }
0x8d: {  	s22 =	sadd.s32 $0x20, s22;
	v28 =	vmov s1;
	v2 =	vimm.s32 $0x0;
	[tilespmem:v32+s14+$0x0] =	vst.idx.msk $0xffff, v27;
	v43 =	vld [tilespmem:$0x1FFD0];
	v24 =	vor.u32 v3, v24  }
0x8e: {  	v11 =	vld [tilespmem:$0x1FF10];
	s25 =	sadd.s32 $0xFFFFFFF1, s22;
	v44 =	vadd.s32 v17, v15;
	v15 =	vshrl.u32 v28, $0x3;
	v29 =	vperm.xlane v12, v2;
	[tilespmem:v61+s14+$0x0] =	vst.idx.msk $0xffff, v1  }
0x8f: {  	v20 =	vld [tilespmem:$0x1FFE0];
	v30 =	vperm.xlane v12, v31;
	v15 =	vshll.u32 v15, v4;
	v32 =	vmov s25;
	[tilespmem:v59+s14+$0x0] =	vst.idx.msk $0xffff, v6  }
0x90: {  	v60 =	vshrl.u32 v32, $0x3;
	v28 =	vshll.u32 v29, $0x5;
	v59 =	vld.idx.msk [tilespmem:v63+s2+$0x0], $0xffff;
	[tilespmem:v18+s14+$0x0] =	vst.idx.msk $0xffff, v9;
	v9 =	vbroadcast v15, $0x0  }
0x91: {  	v27 =	vperm.xlane v36, v2;
	v2 =	vimm.s32 $0xD;
	v18 =	vor.u32 v0, v28;
	v21 =	vld.idx.msk [tilespmem:v21+s2+$0x0], $0xffff  }
0x92: {  	s12 =	sadd.s32 $0xFFFFFFFE, s20;
	v29 =	vperm.xlane v35, v2;
	v28 =	vor.u32 v3, v28;
	v1 =	vld.idx.msk [tilespmem:v24+s2+$0x0], $0xffff;
	v24 =	vadd.s32 v43, v9  }
0x93: {  	v27 =	vshll.u32 v27, $0x5;
	v61 =	vld.idx.msk [tilespmem:v62+s2+$0x0], $0xffff;
	v62 =	vmov s12;
	v6 =	vadd.s32 v8, v9  }
0x94: {  	v25 =	vld [tilespmem:$0x1FF70];
	v63 =	vor.u32 v0, v27;
	v9 =	vshll.u32 v29, $0x5;
	v29 =	vshll.u32 v60, v4  }
0x95: {  	v13 =	vld [tilespmem:$0x1FF20];
	v62 =	vshrl.u32 v62, $0x3;
	v60 =	vor.u32 v0, v9;
	v29 =	vbroadcast v29, $0x0  }
0x96: {  	s4 =	sadd.s32 $0xFFFFFFE1, s22;
	v2 =	vimm.s32 $0xE;
	v15 =	vperm.xlane v36, v31;
	v9 =	vor.u32 v3, v9;
	[tilespmem:v57+s14+$0x0] =	vst.idx.msk $0xffff, v59;
	v18 =	vld.idx.msk [tilespmem:v18+s2+$0x0], $0xffff  }
0x97: {  	v31 =	vmov s4;
	v28 =	vld.idx.msk [tilespmem:v28+s2+$0x0], $0xffff;
	v32 =	vadd.s32 v10, v29;
	[tilespmem:v24+s14+$0x0] =	vst.idx.msk $0xffff, v21;
	v21 =	vshll.u32 v62, v4  }
0x98: {  	v7 =	vld [tilespmem:$0x1FF30];
	v24 =	vadd.s32 v11, v29;
	v29 =	vshll.u32 v30, $0x5;
	[tilespmem:v6+s14+$0x0] =	vst.idx.msk $0xffff, v1;
	v1 =	vbroadcast v21, $0x0  }
0x99: {  	s13 =	sadd.s32 $0xFFFFFFF2, s22;
	v59 =	vld.idx.msk [tilespmem:v63+s2+$0x0], $0xffff;
	v30 =	vperm.xlane v35, v2;
	v6 =	vor.u32 v3, v27;
	v21 =	vor.u32 v0, v29  }
0x9a: {  	v29 =	vor.u32 v3, v29;
	v27 =	vld.idx.msk [tilespmem:v60+s2+$0x0], $0xffff;
	v60 =	vmov s13;
	v57 =	vadd.s32 v20, v1  }
0x9b: {  	[tilespmem:v58+s14+$0x0] =	vst.idx.msk $0xffff, v61;
	v9 =	vld.idx.msk [tilespmem:v9+s2+$0x0], $0xffff;
	v30 =	vshll.u32 v30, $0x5;
	v60 =	vshrl.u32 v60, $0x3;
	v1 =	vadd.s32 v25, v1  }
0x9c: {  	s12 =	sadd.s32 $0xFFFFFFFF, s20;
	v31 =	vshrl.u32 v31, $0x3;
	[tilespmem:v32+s14+$0x0] =	vst.idx.msk $0xffff, v18;
	v32 =	vor.u32 v0, v30;
	v18 =	vshll.u32 v60, v4  }
0x9d: {  	[tilespmem:v24+s14+$0x0] =	vst.idx.msk $0xffff, v28;
	v18 =	vbroadcast v18, $0x0;
	v24 =	vld.idx.msk [tilespmem:v55+s2+$0x0], $0xffff;
	v28 =	vor.u32 v3, v30;
	v30 =	vmov s12  }
0x9e: {  	v31 =	vshll.u32 v31, v4;
	v55 =	vperm.xlane v12, v33;
	v21 =	vld.idx.msk [tilespmem:v21+s2+$0x0], $0xffff;
	v30 =	vshrl.u32 v30, $0x3  }
0x9f: {  	v2 =	vimm.s32 $0xF;
	v29 =	vld.idx.msk [tilespmem:v29+s2+$0x0], $0xffff;
	v60 =	vadd.s32 v13, v18;
	[tilespmem:v57+s14+$0x0] =	vst.idx.msk $0xffff, v27;
	v27 =	vshll.u32 v30, v4  }
0xa0: {  	v30 =	vld.idx.msk [tilespmem:v6+s2+$0x0], $0xffff;
	v6 =	vadd.s32 v7, v18;
	v18 =	vshll.u32 v55, $0x5;
	[tilespmem:v1+s14+$0x0] =	vst.idx.msk $0xffff, v9;
	v9 =	vbroadcast v27, $0x0  }
0xa1: {  	v54 =	vld.idx.msk [tilespmem:v54+s2+$0x0], $0xffff;
	v62 =	vperm.xlane v35, v2;
	s13 =	sadd.s32 $0xFFFFFFF3, s22;
	v1 =	vbroadcast v31, $0x0;
	v27 =	vor.u32 v0, v18  }
0xa2: {  	v35 =	vmovc v12;
	v12 =	vor.u32 v3, v18;
	v18 =	vmov s13;
	v31 =	vld.idx.msk [tilespmem:v32+s2+$0x0], $0xffff;
	v63 =	vadd.s32 v26, v9  }
0xa3: {  	v28 =	vld.idx.msk [tilespmem:v28+s2+$0x0], $0xffff;
	v18 =	vshrl.u32 v18, $0x3;
	[tilespmem:v56+s14+$0x0] =	vst.idx.msk $0xffff, v24;
	v24 =	vshll.u32 v62, $0x5;
	v9 =	vadd.s32 v23, v9  }
0xa4: {  	v15 =	vshll.u32 v15, $0x5;
	v18 =	vshll.u32 v18, v4;
	[tilespmem:v60+s14+$0x0] =	vst.idx.msk $0xffff, v21;
	v21 =	vor.u32 v0, v24  }
0xa5: {  	[tilespmem:v6+s14+$0x0] =	vst.idx.msk $0xffff, v29;
	v6 =	vbroadcast v18, $0x0;
	v18 =	vor.u32 v3, v24;
	v24 =	vmov s20  }
0xa6: {  	s3 =	sadd.s32 $0xFFFFFFE9, s22;
	v61 =	vperm.xlane v35, v5;
	v29 =	vadd.s32 v10, v1;
	v27 =	vld.idx.msk [tilespmem:v27+s2+$0x0], $0xffff;
	v24 =	vshrl.u32 v24, $0x3  }
0xa7: {  	v58 =	vmov s3;
	v12 =	vld.idx.msk [tilespmem:v12+s2+$0x0], $0xffff;
	v62 =	vadd.s32 v34, v6;
	v24 =	vshll.u32 v24, v4;
	[tilespmem:v63+s14+$0x0] =	vst.idx.msk $0xffff, v31  }
0xa8: {  	v31 =	vadd.s32 v14, v6;
	v6 =	vshll.u32 v61, $0x5;
	[tilespmem:v9+s14+$0x0] =	vst.idx.msk $0xffff, v28;
	v9 =	vbroadcast v24, $0x0  }
0xa9: {  	s3 =	sadd.s32 $0xFFFFFFF4, s22;
	v2 =	vld [tilespmem:$0x1FF60];
	v24 =	vadd.s32 v11, v1;
	v28 =	vor.u32 v0, v15;
	v32 =	vor.u32 v0, v6  }
0xaa: {  	[tilespmem:v53+s14+$0x0] =	vst.idx.msk $0xffff, v54;
	v63 =	vor.u32 v3, v6;
	v6 =	vmov s3;
	v15 =	vor.u32 v3, v15;
	v21 =	vld.idx.msk [tilespmem:v21+s2+$0x0], $0xffff  }
0xab: {  	[tilespmem:v29+s14+$0x0] =	vst.idx.msk $0xffff, v59;
	v29 =	vshrl.u32 v6, $0x3;
	v60 =	vadd.s32 v16, v9;
	v61 =	vadd.s32 v17, v9  }
0xac: {  	v18 =	vld.idx.msk [tilespmem:v18+s2+$0x0], $0xffff;
	v9 =	vperm.xlane v36, v33;
	[tilespmem:v62+s14+$0x0] =	vst.idx.msk $0xffff, v27;
	v27 =	vshll.u32 v29, v4  }
0xad: {  	s1 =	sadd.s32 $0xFFFFFFEA, s22;
	[tilespmem:v31+s14+$0x0] =	vst.idx.msk $0xffff, v12;
	v12 =	vbroadcast v27, $0x0  }
0xae: {  	v56 =	vmov s1;
	v33 =	vimm.s32 $0x4;
	[tilespmem:v24+s14+$0x0] =	vst.idx.msk $0xffff, v30;
	v24 =	vshll.u32 v9, $0x5;
	v27 =	vld.idx.msk [tilespmem:v32+s2+$0x0], $0xffff  }
0xaf: {  	v9 =	vshrl.u32 v56, $0x3;
	v30 =	vperm.xlane v35, v33;
	v55 =	vld.idx.msk [tilespmem:v63+s2+$0x0], $0xffff;
	v56 =	vadd.s32 v2, v12  }
0xb0: {  	v57 =	vadd.s32 v7, v1;
	v12 =	vadd.s32 v47, v12;
	v15 =	vld.idx.msk [tilespmem:v15+s2+$0x0], $0xffff  }
0xb1: {  	s4 =	sadd.s32 $0xFFFFFFF5, s22;
	v6 =	vshrl.u32 v58, $0x3;
	v29 =	vadd.s32 v13, v1;
	[tilespmem:v60+s14+$0x0] =	vst.idx.msk $0xffff, v21;
	v21 =	vld.idx.msk [tilespmem:v28+s2+$0x0], $0xffff;
	v28 =	vshll.u32 v30, $0x5  }
0xb2: {  	v59 =	vadd.s32 v14, v1;
	v63 =	vmov s4;
	v58 =	vld.idx.msk [tilespmem:v51+s2+$0x0], $0xffff;
	v30 =	vor.u32 v0, v28  }
0xb3: {  	v6 =	vshll.u32 v6, v4;
	v31 =	vor.u32 v0, v24;
	v51 =	vshrl.u32 v63, $0x3;
	v2 =	vld [tilespmem:$0x1FF60];
	[tilespmem:v61+s14+$0x0] =	vst.idx.msk $0xffff, v18  }
0xb4: {  	s31 =	sadd.s32 $0xFFFFFFEB, s22;
	v28 =	vor.u32 v3, v28;
	[tilespmem:v56+s14+$0x0] =	vst.idx.msk $0xffff, v27;
	v27 =	vshll.u32 v51, v4  }
0xb5: {  	v62 =	vmov s31;
	v18 =	vor.u32 v3, v24;
	[tilespmem:v12+s14+$0x0] =	vst.idx.msk $0xffff, v55;
	v12 =	vbroadcast v27, $0x0  }
0xb6: {  	v22 =	vimm.s32 $0x7;
	v53 =	vshrl.u32 v62, $0x3;
	v32 =	vadd.s32 v34, v1;
	v52 =	vld.idx.msk [tilespmem:v52+s2+$0x0], $0xffff;
	[tilespmem:v29+s14+$0x0] =	vst.idx.msk $0xffff, v21  }
0xb7: {  	v14 =	vimm.s32 $0x8;
	v24 =	vperm.xlane v36, v5;
	v29 =	vld.idx.msk [tilespmem:v30+s2+$0x0], $0xffff;
	[tilespmem:v57+s14+$0x0] =	vst.idx.msk $0xffff, v15;
	v55 =	vadd.s32 v43, v12  }
0xb8: {  	v63 =	vperm.xlane v36, v33;
	v21 =	vadd.s32 v2, v1;
	v2 =	vimm.s32 $0x5;
	v31 =	vld.idx.msk [tilespmem:v31+s2+$0x0], $0xffff  }
0xb9: {  	s30 =	sadd.s32 $0xFFFFFFEC, s22;
	v24 =	vshll.u32 v24, $0x5;
	v30 =	vperm.xlane v35, v2;
	v28 =	vld.idx.msk [tilespmem:v28+s2+$0x0], $0xffff;
	v12 =	vadd.s32 v8, v12  }
0xba: {  	v34 =	vmov s30;
	v54 =	vor.u32 v0, v24;
	v15 =	vshll.u32 v63, $0x5;
	v18 =	vld.idx.msk [tilespmem:v18+s2+$0x0], $0xffff;
	[tilespmem:v48+s14+$0x0] =	vst.idx.msk $0xffff, v58  }
0xbb: {  	s12 =	sadd.s32 $0xFFFFFFF6, s22;
	v51 =	vshrl.u32 v34, $0x3;
	v57 =	vor.u32 v0, v15;
	v30 =	vshll.u32 v30, $0x5;
	[tilespmem:v45+s14+$0x0] =	vst.idx.msk $0xffff, v52  }
0xbc: {  	v34 =	vmov s12;
	v60 =	vor.u32 v3, v15;
	v15 =	vor.u32 v0, v30;
	[tilespmem:v55+s14+$0x0] =	vst.idx.msk $0xffff, v29  }
0xbd: {  	v53 =	vshll.u32 v53, v4;
	v24 =	vor.u32 v3, v24;
	v62 =	vshrl.u32 v34, $0x3;
	[tilespmem:v32+s14+$0x0] =	vst.idx.msk $0xffff, v31  }
0xbe: {  	v6 =	vbroadcast v6, $0x0;
	v30 =	vor.u32 v3, v30;
	v29 =	vshll.u32 v62, v4;
	[tilespmem:v12+s14+$0x0] =	vst.idx.msk $0xffff, v28  }
0xbf: {  	s29 =	sadd.s32 $0xFFFFFFED, s22;
	v5 =	vperm.xlane v36, v14;
	v56 =	vadd.s32 v47, v1;
	v12 =	vbroadcast v29, $0x0;
	[tilespmem:v59+s14+$0x0] =	vst.idx.msk $0xffff, v18  }
0xc0: {  	v27 =	vmov s29;
	v33 =	vperm.xlane v36, v2;
	v63 =	vadd.s32 v8, v1;
	v32 =	vld.idx.msk [tilespmem:v54+s2+$0x0], $0xffff  }
0xc1: {  	v2 =	vimm.s32 $0x6;
	v58 =	vadd.s32 v43, v1;
	v15 =	vld.idx.msk [tilespmem:v15+s2+$0x0], $0xffff;
	v31 =	vadd.s32 v20, v12  }
0xc2: {  	v34 =	vperm.xlane v36, v2;
	v45 =	vshrl.u32 v27, $0x3;
	v27 =	vperm.xlane v35, v2;
	v24 =	vld.idx.msk [tilespmem:v24+s2+$0x0], $0xffff  }
0xc3: {  	v48 =	vperm.xlane v36, v22;
	v33 =	vshll.u32 v33, $0x5;
	v30 =	vld.idx.msk [tilespmem:v30+s2+$0x0], $0xffff;
	v12 =	vadd.s32 v25, v12  }
0xc4: {  	s13 =	sadd.s32 $0xFFFFFFF7, s22;
	v52 =	vadd.s32 v26, v1;
	v27 =	vshll.u32 v27, $0x5;
	v28 =	vshll.u32 v34, $0x5;
	v34 =	vld.idx.msk [tilespmem:v41+s2+$0x0], $0xffff  }
0xc5: {  	v62 =	vor.u32 v3, v27;
	v59 =	vor.u32 v0, v27;
	v27 =	vmov s13;
	v2 =	vld.idx.msk [tilespmem:v42+s2+$0x0], $0xffff;
	[tilespmem:v21+s14+$0x0] =	vst.idx.msk $0xffff, v32  }
0xc6: {  	v61 =	vor.u32 v3, v33;
	v55 =	vor.u32 v0, v33;
	v27 =	vshrl.u32 v27, $0x3;
	[tilespmem:v31+s14+$0x0] =	vst.idx.msk $0xffff, v15  }
0xc7: {  	s28 =	sadd.s32 $0xFFFFFFEE, s22;
	v5 =	vshll.u32 v5, $0x5;
	v29 =	vadd.s32 v20, v1;
	v15 =	vshll.u32 v27, v4;
	[tilespmem:v56+s14+$0x0] =	vst.idx.msk $0xffff, v24  }
0xc8: {  	s26 =	sadd.s32 $0xFFFFFFEF, s22;
	v18 =	vmov s28;
	v54 =	vadd.s32 v25, v1;
	[tilespmem:v12+s14+$0x0] =	vst.idx.msk $0xffff, v30;
	v12 =	vbroadcast v15, $0x0  }
0xc9: {  	v41 =	vadd.s32 v23, v1;
	v42 =	vmov s26;
	v21 =	vperm.xlane v35, v22;
	v56 =	vld.idx.msk [tilespmem:v57+s2+$0x0], $0xffff  }
0xca: {  	v24 =	vadd.s32 v17, v1;
	v15 =	vshrl.u32 v18, $0x3;
	v30 =	vld.idx.msk [tilespmem:v59+s2+$0x0], $0xffff;
	v32 =	vadd.s32 v26, v12  }
0xcb: {  	s26 =	sadd.s32 $0xFFFFFFF8, s22;
	v18 =	vadd.s32 v16, v1;
	v31 =	vld.idx.msk [tilespmem:v62+s2+$0x0], $0xffff;
	v62 =	vshll.u32 v21, $0x5;
	v1 =	vadd.s32 v23, v12  }
0xcc: {  	v59 =	vld.idx.msk [tilespmem:v60+s2+$0x0], $0xffff;
	v21 =	vor.u32 v0, v5;
	v60 =	vmov s26;
	[tilespmem:v40+s14+$0x0] =	vst.idx.msk $0xffff, v34;
	v26 =	vimm.s32 $0x9  }
0xcd: {  	v12 =	vor.u32 v3, v5;
	v5 =	vor.u32 v0, v62;
	v34 =	vperm.xlane v36, v26  }
0xce: {  	v57 =	vor.u32 v3, v62;
	v60 =	vshrl.u32 v60, $0x3;
	[tilespmem:v39+s14+$0x0] =	vst.idx.msk $0xffff, v2;
	v2 =	vshll.u32 v9, v4  }
0xcf: {  	v9 =	vshll.u32 v60, v4;
	v62 =	vshll.u32 v34, $0x5;
	v34 =	vld.idx.msk [tilespmem:v38+s2+$0x0], $0xffff;
	[tilespmem:v32+s14+$0x0] =	vst.idx.msk $0xffff, v30  }
0xd0: {  	v60 =	vadd.s32 v10, v6;
	v30 =	vld.idx.msk [tilespmem:v37+s2+$0x0], $0xffff;
	[tilespmem:v1+s14+$0x0] =	vst.idx.msk $0xffff, v31;
	v31 =	vbroadcast v9, $0x0  }
0xd1: {  	[tilespmem:v58+s14+$0x0] =	vst.idx.msk $0xffff, v56;
	v58 =	vperm.xlane v35, v14;
	v14 =	vld [tilespmem:$0x1FF40];
	v9 =	vadd.s32 v11, v6  }
0xd2: {  	[tilespmem:v63+s14+$0x0] =	vst.idx.msk $0xffff, v59;
	v1 =	vor.u32 v0, v62;
	v5 =	vld.idx.msk [tilespmem:v5+s2+$0x0], $0xffff;
	v40 =	vadd.s32 v16, v31  }
0xd3: {  	v6 =	vor.u32 v3, v62;
	v38 =	vld.idx.msk [tilespmem:v57+s2+$0x0], $0xffff;
	v62 =	vshll.u32 v58, $0x5;
	v31 =	vadd.s32 v17, v31  }
0xd4: {  	v2 =	vbroadcast v2, $0x0;
	v55 =	vld.idx.msk [tilespmem:v55+s2+$0x0], $0xffff;
	v17 =	vimm.s32 $0xA;
	v57 =	vor.u32 v0, v62  }
0xd5: {  	s28 =	sadd.s32 $0xFFFFFFF9, s22;
	v33 =	vor.u32 v0, v28;
	v37 =	vld.idx.msk [tilespmem:v61+s2+$0x0], $0xffff;
	v56 =	vperm.xlane v36, v17;
	[tilespmem:v49+s14+$0x0] =	vst.idx.msk $0xffff, v30  }
0xd6: {  	v28 =	vor.u32 v3, v28;
	v59 =	vadd.s32 v7, v2;
	v58 =	vmov s28;
	[tilespmem:v50+s14+$0x0] =	vst.idx.msk $0xffff, v34  }
0xd7: {  	v61 =	vadd.s32 v13, v2;
	v2 =	vbroadcast v53, $0x0;
	v30 =	vshll.u32 v56, $0x5;
	[tilespmem:v40+s14+$0x0] =	vst.idx.msk $0xffff, v5  }
0xd8: {  	v32 =	vor.u32 v3, v62;
	v63 =	vshrl.u32 v58, $0x3;
	v62 =	vor.u32 v3, v30;
	[tilespmem:v31+s14+$0x0] =	vst.idx.msk $0xffff, v38  }
0xd9: {  	[tilespmem:v29+s14+$0x0] =	vst.idx.msk $0xffff, v55;
	v5 =	vshll.u32 v63, v4;
	v63 =	vor.u32 v0, v30;
	v30 =	vld.idx.msk [tilespmem:v57+s2+$0x0], $0xffff  }
0xda: {  	v23 =	vimm.s32 $0xB;
	[tilespmem:v54+s14+$0x0] =	vst.idx.msk $0xffff, v37;
	v5 =	vbroadcast v5, $0x0;
	v57 =	vadd.s32 v14, v2;
	v14 =	vld [tilespmem:$0x1FF50]  }
0xdb: {  	v48 =	vshll.u32 v48, $0x5;
	v29 =	vperm.xlane v36, v23;
	v31 =	vperm.xlane v35, v26;
	v33 =	vld.idx.msk [tilespmem:v33+s2+$0x0], $0xffff  }
0xdc: {  	v45 =	vshll.u32 v45, v4;
	v27 =	vor.u32 v0, v48;
	v49 =	vadd.s32 v10, v5  }
0xdd: {  	v29 =	vshll.u32 v29, $0x5;
	v32 =	vld.idx.msk [tilespmem:v32+s2+$0x0], $0xffff;
	v5 =	vadd.s32 v11, v5;
	v31 =	vshll.u32 v31, $0x5  }
0xde: {  	s29 =	sadd.s32 $0xFFFFFFFA, s22;
	v28 =	vld.idx.msk [tilespmem:v28+s2+$0x0], $0xffff;
	v55 =	vor.u32 v0, v29;
	v54 =	vor.u32 v3, v29;
	v29 =	vor.u32 v3, v31  }
0xdf: {  	v37 =	vld.idx.msk [tilespmem:v19+s2+$0x0], $0xffff;
	v58 =	vadd.s32 v14, v2;
	v2 =	vor.u32 v0, v31;
	v31 =	vmov s29  }
0xe0: {  	v48 =	vor.u32 v3, v48;
	v46 =	vld.idx.msk [tilespmem:v46+s2+$0x0], $0xffff;
	[tilespmem:v52+s14+$0x0] =	vst.idx.msk $0xffff, v33;
	v31 =	vshrl.u32 v31, $0x3  }
0xe1: {  	v15 =	vshll.u32 v15, v4;
	v10 =	vimm.s32 $0xC;
	[tilespmem:v49+s14+$0x0] =	vst.idx.msk $0xffff, v30;
	v30 =	vshll.u32 v31, v4  }
0xe2: {  	s25 =	sadd.s32 $0xFFFFFFF0, s22;
	v56 =	vperm.xlane v36, v10;
	v10 =	vimm.s32 $0xD;
	[tilespmem:v5+s14+$0x0] =	vst.idx.msk $0xffff, v32;
	v5 =	vbroadcast v30, $0x0  }
0xe3: {  	v39 =	vmov s25;
	v53 =	vshll.u32 v51, v4;
	v40 =	vperm.xlane v36, v10;
	[tilespmem:v41+s14+$0x0] =	vst.idx.msk $0xffff, v28;
	v28 =	vld.idx.msk [tilespmem:v29+s2+$0x0], $0xffff  }
0xe4: {  	v16 =	vimm.s32 $0xC;
	v29 =	vadd.s32 v13, v5;
	v5 =	vadd.s32 v7, v5;
	v7 =	vld [tilespmem:$0x1FEE0]  }
0xe5: {  	s30 =	sadd.s32 $0xFFFFFFFB, s22;
	v38 =	vbroadcast v53, $0x0;
	v19 =	vimm.s32 $0xD;
	v34 =	vshll.u32 v40, $0x5;
	v2 =	vld.idx.msk [tilespmem:v2+s2+$0x0], $0xffff  }
0xe6: {  	v50 =	vld [tilespmem:$0x1FF60];
	v41 =	vmov s30;
	v31 =	vshll.u32 v56, $0x5;
	v30 =	vperm.xlane v35, v17  }
0xe7: {  	v51 =	vor.u32 v0, v31;
	v52 =	vor.u32 v3, v31;
	v31 =	vbroadcast v45, $0x0  }
0xe8: {  	v27 =	vld.idx.msk [tilespmem:v27+s2+$0x0], $0xffff;
	v49 =	vshrl.u32 v42, $0x3;
	v42 =	vor.u32 v3, v34;
	v30 =	vshll.u32 v30, $0x5  }
0xe9: {  	v32 =	vld.idx.msk [tilespmem:v48+s2+$0x0], $0xffff;
	v48 =	vadd.s32 v43, v31;
	v45 =	vadd.s32 v8, v31;
	v33 =	vor.u32 v0, v30  }
0xea: {  	v31 =	vshrl.u32 v41, $0x3;
	v41 =	vor.u32 v0, v34;
	v34 =	vld [tilespmem:$0x1FF40];
	v30 =	vor.u32 v3, v30;
	[tilespmem:v29+s14+$0x0] =	vst.idx.msk $0xffff, v2  }
0xeb: {  	v53 =	vadd.s32 v47, v38;
	v56 =	vadd.s32 v50, v38;
	[tilespmem:v5+s14+$0x0] =	vst.idx.msk $0xffff, v28;
	v5 =	vimm.s32 $0xE  }
0xec: {  	v2 =	vshll.u32 v31, v4;
	v29 =	vbroadcast v15, $0x0;
	v5 =	vperm.xlane v36, v5;
	[tilespmem:v7+s14+$0x0] =	vst.idx.msk $0xffff, v37  }
0xed: {  	v8 =	vimm.s32 $0xE;
	v31 =	vimm.s32 $0x1;
	v2 =	vbroadcast v2, $0x0;
	[tilespmem:v44+s14+$0x0] =	vst.idx.msk $0xffff, v46  }
0xee: {  	s23 =	sadd.s32 $0x2, s23;
	v15 =	vshrl.u32 v39, $0x3;
	v28 =	vld.idx.msk [tilespmem:v33+s2+$0x0], $0xffff;
	v40 =	vadd.s32 v20, v29;
	v5 =	vshll.u32 v5, $0x5;
	[tilespmem:v18+s14+$0x0] =	vst.idx.msk $0xffff, v27  }
0xef: {  	p1 =	slt.u32 s23, $0x1E;
	v33 =	vimm.s32 $0x2;
	v18 =	vperm.xlane v35, v23;
	[tilespmem:v24+s14+$0x0] =	vst.idx.msk $0xffff, v32;
	v24 =	vld.idx.msk [tilespmem:v30+s2+$0x0], $0xffff;
	v30 =	vadd.s32 v34, v2  }
.Ltmp0:
0xf0: {  	v39 =	vadd.s32 v25, v29;
	v27 =	vadd.s32 v14, v2;
	v37 =	vor.u32 v0, v5;
	(pc) =	sbr.rel @p1 .LBB2_3-.Ltmp0, $4  }
0xf1: {  	s31 =	sadd.s32 $0xFFFFFFFC, s22;
	v38 =	vor.u32 v3, v5;
	v5 =	vshll.u32 v49, v4;
	v2 =	vshll.u32 v18, $0x5  }
0xf2: {  	v43 =	vor.u32 v0, v2;
	v44 =	vor.u32 v3, v2;
	v2 =	vmov s31  }
0xf3: {  	v46 =	vld.idx.msk [tilespmem:v21+s2+$0x0], $0xffff;
	v18 =	vbroadcast v5, $0x0;
	v5 =	vimm.s32 $0xF;
	v2 =	vshrl.u32 v2, $0x3  }
0xf4: {  	s24 =	sadd.s32 $0x20, s24;
	s20 =	smov.u32 s22;
	v20 =	vimm.s32 $0xF;
	v47 =	vld.idx.msk [tilespmem:v12+s2+$0x0], $0xffff;
	v21 =	vperm.xlane v36, v5;
	v36 =	vshll.u32 v2, v4;
	[tilespmem:v30+s14+$0x0] =	vst.idx.msk $0xffff, v28  }
0xf5: {  	_ =	sdelay $0x3  }
0xf6: {  	[tilespmem:v60+s14+$0x0] =	vst.idx.msk $0xffff, v46  }
0xf7: {  	[tilespmem:v9+s14+$0x0] =	vst.idx.msk $0xffff, v47  }
0xf8: {  	v1 =	vld.idx.msk [tilespmem:v1+s2+$0x0], $0xffff  }
0xf9: {  	v2 =	vld.idx.msk [tilespmem:v6+s2+$0x0], $0xffff;
	_ =	sdelay $0x3  }
0xfa: {  	[tilespmem:v61+s14+$0x0] =	vst.idx.msk $0xffff, v1  }
0xfb: {  	[tilespmem:v59+s14+$0x0] =	vst.idx.msk $0xffff, v2  }
0xfc: {  	v1 =	vld.idx.msk [tilespmem:v63+s2+$0x0], $0xffff;
	_ =	sdelay $0x2  }
0xfd: {  	[tilespmem:v27+s14+$0x0] =	vst.idx.msk $0xffff, v24  }
0xfe: {  	v9 =	vld.idx.msk [tilespmem:v43+s2+$0x0], $0xffff  }
0xff: {  	v2 =	vld.idx.msk [tilespmem:v62+s2+$0x0], $0xffff;
	[tilespmem:v57+s14+$0x0] =	vst.idx.msk $0xffff, v1  }
0x100: {  	v43 =	vld [tilespmem:$0x1FF90];
	_ =	sdelay $0x1  }
0x101: {  	v5 =	vbroadcast v36, $0x0;
	_ =	sdelay $0x1  }
0x102: {  	v12 =	vadd.s32 v50, v5  }
0x103: {  	v1 =	vld.idx.msk [tilespmem:v44+s2+$0x0], $0xffff;
	[tilespmem:v58+s14+$0x0] =	vst.idx.msk $0xffff, v2;
	v5 =	vadd.s32 v43, v5  }
0x104: {  	v59 =	vld.idx.msk [tilespmem:v55+s2+$0x0], $0xffff;
	_ =	sdelay $0x1  }
0x105: {  	v6 =	vperm.xlane v35, v16  }
0x106: {  	[tilespmem:v12+s14+$0x0] =	vst.idx.msk $0xffff, v9  }
0x107: {  	s1 =	sadd.s32 $0xFFFFFFFD, s22;
	v6 =	vshll.u32 v6, $0x5;
	v28 =	vld.idx.msk [tilespmem:v54+s2+$0x0], $0xffff;
	[tilespmem:v5+s14+$0x0] =	vst.idx.msk $0xffff, v1  }
0x108: {  	v2 =	vor.u32 v0, v6;
	v58 =	vmov s1;
	v7 =	vld [tilespmem:$0x1FFD0];
	[tilespmem:v56+s14+$0x0] =	vst.idx.msk $0xffff, v59  }
0x109: {  	v6 =	vor.u32 v3, v6;
	v24 =	vshrl.u32 v58, $0x3;
	v1 =	vperm.xlane v35, v19;
	v19 =	vld [tilespmem:$0x1FFF0]  }
0x10a: {  	v24 =	vshll.u32 v24, v4  }
0x10b: {  	v9 =	vbroadcast v24, $0x0;
	_ =	sdelay $0x1  }
0x10c: {  	v2 =	vld.idx.msk [tilespmem:v2+s2+$0x0], $0xffff;
	v5 =	vadd.s32 v7, v9  }
0x10d: {  	v6 =	vld.idx.msk [tilespmem:v6+s2+$0x0], $0xffff;
	[tilespmem:v53+s14+$0x0] =	vst.idx.msk $0xffff, v28;
	v9 =	vadd.s32 v19, v9  }
0x10e: {  	v27 =	vld.idx.msk [tilespmem:v51+s2+$0x0], $0xffff;
	_ =	sdelay $0x2  }
0x10f: {  	[tilespmem:v5+s14+$0x0] =	vst.idx.msk $0xffff, v2  }
0x110: {  	s29 =	sadd.s32 $0xFFFFFFFE, s20;
	v1 =	vshll.u32 v1, $0x5;
	v28 =	vld.idx.msk [tilespmem:v52+s2+$0x0], $0xffff;
	[tilespmem:v9+s14+$0x0] =	vst.idx.msk $0xffff, v6  }
0x111: {  	v60 =	vmov s29;
	v12 =	vor.u32 v0, v1;
	v22 =	vld [tilespmem:$0x1FFE0];
	[tilespmem:v48+s14+$0x0] =	vst.idx.msk $0xffff, v27  }
0x112: {  	v24 =	vshrl.u32 v60, $0x3;
	v1 =	vor.u32 v3, v1;
	v10 =	vld [tilespmem:$0x1FF70]  }
0x113: {  	v24 =	vshll.u32 v24, v4  }
0x114: {  	v2 =	vbroadcast v24, $0x0;
	_ =	sdelay $0x1  }
0x115: {  	v6 =	vld.idx.msk [tilespmem:v12+s2+$0x0], $0xffff;
	v9 =	vadd.s32 v22, v2  }
0x116: {  	v1 =	vld.idx.msk [tilespmem:v1+s2+$0x0], $0xffff;
	[tilespmem:v45+s14+$0x0] =	vst.idx.msk $0xffff, v28;
	v2 =	vadd.s32 v10, v2  }
0x117: {  	v27 =	vld.idx.msk [tilespmem:v41+s2+$0x0], $0xffff;
	_ =	sdelay $0x1  }
0x118: {  	v5 =	vperm.xlane v35, v8  }
0x119: {  	[tilespmem:v9+s14+$0x0] =	vst.idx.msk $0xffff, v6  }
0x11a: {  	s30 =	sadd.s32 $0xFFFFFFFF, s20;
	v5 =	vshll.u32 v5, $0x5;
	v28 =	vld.idx.msk [tilespmem:v42+s2+$0x0], $0xffff;
	[tilespmem:v2+s14+$0x0] =	vst.idx.msk $0xffff, v1  }
0x11b: {  	v61 =	vmov s30;
	v12 =	vor.u32 v0, v5;
	v53 =	vld [tilespmem:$0x1FFB0];
	[tilespmem:v40+s14+$0x0] =	vst.idx.msk $0xffff, v27  }
0x11c: {  	v24 =	vshrl.u32 v61, $0x3;
	v5 =	vor.u32 v3, v5;
	v10 =	vld [tilespmem:$0x1FF80]  }
0x11d: {  	v24 =	vshll.u32 v24, v4  }
0x11e: {  	v6 =	vbroadcast v24, $0x0;
	_ =	sdelay $0x1  }
0x11f: {  	v2 =	vld.idx.msk [tilespmem:v12+s2+$0x0], $0xffff;
	v9 =	vadd.s32 v53, v6  }
0x120: {  	v5 =	vld.idx.msk [tilespmem:v5+s2+$0x0], $0xffff;
	v6 =	vadd.s32 v10, v6  }
0x121: {  	[tilespmem:v39+s14+$0x0] =	vst.idx.msk $0xffff, v28  }
0x122: {  	v12 =	vshll.u32 v21, $0x5;
	v28 =	vld.idx.msk [tilespmem:v37+s2+$0x0], $0xffff;
	v21 =	vadd.s32 v53, v18  }
0x123: {  	v1 =	vperm.xlane v35, v20  }
0x124: {  	[tilespmem:v9+s14+$0x0] =	vst.idx.msk $0xffff, v2  }
0x125: {  	v1 =	vshll.u32 v1, $0x5;
	v29 =	vld.idx.msk [tilespmem:v38+s2+$0x0], $0xffff;
	[tilespmem:v6+s14+$0x0] =	vst.idx.msk $0xffff, v5  }
0x126: {  	v63 =	vmov s20;
	v62 =	vor.u32 v0, v1;
	v18 =	vadd.s32 v10, v18;
	v8 =	vld [tilespmem:$0x1FFA0]  }
0x127: {  	v27 =	vshrl.u32 v63, $0x3;
	v30 =	vor.u32 v0, v12;
	[tilespmem:v21+s14+$0x0] =	vst.idx.msk $0xffff, v28  }
0x128: {  	v27 =	vshll.u32 v27, v4;
	v1 =	vor.u32 v3, v1;
	v11 =	vld [tilespmem:$0x1FFC0]  }
0x129: {  	v12 =	vor.u32 v3, v12;
	v2 =	vbroadcast v27, $0x0;
	v9 =	vshll.u32 v15, v4  }
0x12a: {  	v5 =	vbroadcast v9, $0x0  }
0x12b: {  	v6 =	vld.idx.msk [tilespmem:v62+s2+$0x0], $0xffff;
	[tilespmem:v18+s14+$0x0] =	vst.idx.msk $0xffff, v29;
	v9 =	vadd.s32 v8, v2  }
0x12c: {  	v18 =	vld.idx.msk [tilespmem:v30+s2+$0x0], $0xffff;
	v15 =	vadd.s32 v8, v5  }
0x12d: {  	v1 =	vld.idx.msk [tilespmem:v1+s2+$0x0], $0xffff;
	v2 =	vadd.s32 v11, v2  }
0x12e: {  	v12 =	vld.idx.msk [tilespmem:v12+s2+$0x0], $0xffff;
	v5 =	vadd.s32 v11, v5  }
0x12f: {  	p1 =	seq.s32 s19, $0x63  }
0x130: {  	s20 =	sshll.u32 @!p1 s19, $0xF;
	[tilespmem:v9+s14+$0x0] =	vst.idx.msk $0xffff, v6  }
0x131: {  	s1 =	sadd.s32 @!p1 s7, s20;
	[tilespmem:v15+s14+$0x0] =	vst.idx.msk $0xffff, v18  }
0x132: {  	s31 =	sor.u32 s5, s21;
	s3 =	simm.s32 @!p1 $0x0;
	s1 =	sshrl.u32 @!p1 s1, $0x3;
	[tilespmem:v2+s14+$0x0] =	vst.idx.msk $0xffff, v1  }
0x133: {  	s4 =	simm.s32 @!p1 $0x7D00;
	s21 =	sshrl.u32 s31, $0x3;
	s1 =	sadd.s32 @!p1 s0, s1;
	[tilespmem:v5+s14+$0x0] =	vst.idx.msk $0xffff, v12  }
0x134: {  	[tilespmem:s4], [sflag:$0x3] =	stream.linear.gather @!p1 [hbm4b:s1+s3], $0x200, $0x38;
	[tilespmem:$0x10300] =	vst v63  }
0x135: {  	s22 =	simm.s32 $0x8308;
	s1 =	sadd.s32 s6, s21  }
0x136: {  	v49 =	vimm.s32 $0x7;
	v10 =	vmov v11;
	s3 =	simm.s32 $0x8100;
	s4 =	simm.s32 $0x800;
	s23 =	sadd.s32 $0x0, s1  }
.LBB2_5:
0x137: {  	[hbm4b:s23+s2] =	stream.linear.scatter [tilespmem:s3], [sflag:$0x1], $0x200, $0x38;
	[tilespmem:$0x10300] =	vst v63  }
0x138: {  	s12 =	smov.u32 s4;
	s3 =	smov.u32 s22;
	p2 =	sne.s32 s4, $0xF800  }
.Ltmp1:
0x139: {  	s4 =	sadd.s32 $0x800, s4;
	(pc) =	sbr.rel @p2 .LBB2_5-.Ltmp1, $2  }
0x13a: {  	_ =	sdelay $0x2  }
0x13b: {  	s22 =	sadd.s32 $0x208, s22;
	s23 =	sadd.s32 s12, s1  }
0x13c: {  	[hbm4b:s23+s2] =	stream.linear.scatter [tilespmem:s3], [sflag:$0x1], $0x200, $0x38;
	[tilespmem:$0x10300] =	vst v63  }
0x13d: {  	s1 =	simm.s32 @p0 $0x0;
	s3 =	simm.s32 @p0 $0x7F00  }
0x13e: {  	[tilespmem:s3], [sflag:$0x5] =	stream.linear.gather @p0 [hbm4b:s10+s1], $0x200, $0x38;
	[tilespmem:$0x10300] =	vst v63  }
0x13f: {  	s1 =	simm.s32 @!p0 $0x2  }
0x140: {  	_ =	swait.ge @!p0 [sflag:s1], $0x4000  }
0x141: {  	s3 =	simm.s32 @!p0 $0x4;
	[sflag:s1] =	ssyncset.done @!p0 $0x0  }
0x142: {  	s3 =	simm.s32 @p0 $0x5;
	[sflag:s1] =	ssyncadd.s32 @!p0 $0xFFFFC000  }
0x143: {  	_ =	swait.ge [sflag:s3], $0x200  }
0x144: {  	[sflag:s3] =	ssyncset.done $0x0  }
0x145: {  	s22 =	simm.s32 $0x7F10;
	[sflag:s3] =	ssyncadd.s32 $0xFFFFFE00  }
0x146: {  	v35 =	vld [tilespmem:s22+$0x0];
	_ =	sdelay $0x3  }
0x147: {  	v11 =	vimm.s32 $0x0  }
0x148: {  	v1 =	vperm.xlane v35, v11;
	_ =	sdelay $0x1  }
0x149: {  	s23 =	simm.s32 $0x10;
	v1 =	vshll.u32 v1, $0x5  }
0x14a: {  	v5 =	vmov s23;
	v51 =	vld [tilespmem:$0x1FF00];
	v2 =	vor.u32 v0, v1  }
0x14b: {  	v5 =	vshrl.u32 v5, $0x3;
	v52 =	vld [tilespmem:$0x1FF10];
	v1 =	vor.u32 v3, v1  }
0x14c: {  	v5 =	vshll.u32 v5, v4  }
0x14d: {  	v5 =	vbroadcast v5, $0x0;
	_ =	sdelay $0x1  }
0x14e: {  	v9 =	vadd.s32 v51, v5;
	v2 =	vld.idx.msk [tilespmem:v2+s2+$0x0], $0xffff  }
0x14f: {  	v5 =	vadd.s32 v52, v5;
	v1 =	vld.idx.msk [tilespmem:v1+s2+$0x0], $0xffff;
	_ =	sdelay $0x2  }
0x150: {  	v36 =	vld [tilespmem:s22+$0xFFFFFFF0];
	v6 =	vperm.xlane v35, v31  }
0x151: {  	[tilespmem:v9+s15+$0x0] =	vst.idx.msk $0xffff, v2  }
0x152: {  	s24 =	simm.s32 $0x11;
	v6 =	vshll.u32 v6, $0x5;
	[tilespmem:v5+s15+$0x0] =	vst.idx.msk $0xffff, v1  }
0x153: {  	v15 =	vmov s24;
	v12 =	vor.u32 v0, v6;
	v13 =	vld [tilespmem:$0x1FF20]  }
0x154: {  	v15 =	vshrl.u32 v15, $0x3;
	v6 =	vor.u32 v3, v6;
	v26 =	vld [tilespmem:$0x1FF30]  }
0x155: {  	v15 =	vshll.u32 v15, v4;
	v18 =	vperm.xlane v36, v11  }
0x156: {  	v2 =	vbroadcast v15, $0x0  }
0x157: {  	s25 =	simm.s32 $0x0;
	v9 =	vshll.u32 v18, $0x5;
	v1 =	vperm.xlane v35, v33  }
0x158: {  	v18 =	vmov s25;
	v5 =	vor.u32 v0, v9;
	v12 =	vld.idx.msk [tilespmem:v12+s2+$0x0], $0xffff;
	v15 =	vadd.s32 v13, v2  }
0x159: {  	s26 =	simm.s32 $0x12;
	v9 =	vor.u32 v3, v9;
	v6 =	vld.idx.msk [tilespmem:v6+s2+$0x0], $0xffff;
	v1 =	vshll.u32 v1, $0x5;
	v2 =	vadd.s32 v26, v2  }
0x15a: {  	v24 =	vmov s26;
	v18 =	vshrl.u32 v18, $0x3;
	v21 =	vor.u32 v0, v1  }
0x15b: {  	v24 =	vshrl.u32 v24, $0x3;
	v18 =	vshll.u32 v18, v4;
	v27 =	vor.u32 v3, v1  }
0x15c: {  	v1 =	vbroadcast v18, $0x0;
	v18 =	vshll.u32 v24, v4  }
0x15d: {  	v5 =	vld.idx.msk [tilespmem:v5+s2+$0x0], $0xffff;
	[tilespmem:v15+s15+$0x0] =	vst.idx.msk $0xffff, v12;
	v12 =	vbroadcast v18, $0x0  }
0x15e: {  	v16 =	vimm.s32 $0x3;
	v9 =	vld.idx.msk [tilespmem:v9+s2+$0x0], $0xffff;
	[tilespmem:v2+s15+$0x0] =	vst.idx.msk $0xffff, v6;
	v2 =	vadd.s32 v51, v1  }
0x15f: {  	v15 =	vperm.xlane v35, v16;
	v6 =	vld.idx.msk [tilespmem:v21+s2+$0x0], $0xffff;
	v18 =	vadd.s32 v34, v12  }
0x160: {  	v21 =	vld.idx.msk [tilespmem:v27+s2+$0x0], $0xffff;
	v27 =	vadd.s32 v52, v1  }
0x161: {  	s29 =	simm.s32 $0x13;
	v24 =	vperm.xlane v36, v31;
	v12 =	vadd.s32 v14, v12;
	v15 =	vshll.u32 v15, $0x5  }
0x162: {  	v30 =	vmov s29;
	v29 =	vor.u32 v0, v15  }
0x163: {  	v24 =	vshll.u32 v24, $0x5;
	v15 =	vor.u32 v3, v15;
	[tilespmem:v2+s15+$0x0] =	vst.idx.msk $0xffff, v5;
	v2 =	vshrl.u32 v30, $0x3  }
0x164: {  	v11 =	vimm.s32 $0x4;
	v46 =	vor.u32 v0, v24;
	[tilespmem:v18+s15+$0x0] =	vst.idx.msk $0xffff, v6;
	v2 =	vshll.u32 v2, v4  }
0x165: {  	s28 =	simm.s32 $0x8;
	v6 =	vor.u32 v3, v24;
	v18 =	vperm.xlane v36, v33;
	[tilespmem:v27+s15+$0x0] =	vst.idx.msk $0xffff, v9;
	v2 =	vbroadcast v2, $0x0  }
0x166: {  	v28 =	vmov s28;
	v27 =	vperm.xlane v35, v11;
	[tilespmem:v12+s15+$0x0] =	vst.idx.msk $0xffff, v21  }
0x167: {  	v21 =	vshrl.u32 v28, $0x3;
	v9 =	vshll.u32 v18, $0x5;
	v18 =	vld.idx.msk [tilespmem:v29+s2+$0x0], $0xffff;
	v28 =	vadd.s32 v50, v2  }
0x168: {  	v15 =	vld.idx.msk [tilespmem:v15+s2+$0x0], $0xffff;
	v2 =	vadd.s32 v43, v2  }
0x169: {  	s3 =	simm.s32 $0x14;
	v12 =	vadd.s32 v13, v1;
	v30 =	vld.idx.msk [tilespmem:v46+s2+$0x0], $0xffff;
	v27 =	vshll.u32 v27, $0x5  }
0x16a: {  	v54 =	vmov s3;
	v24 =	vadd.s32 v26, v1;
	v48 =	vor.u32 v0, v27;
	v6 =	vld.idx.msk [tilespmem:v6+s2+$0x0], $0xffff  }
0x16b: {  	v23 =	vmov v34;
	v34 =	vshrl.u32 v54, $0x3;
	v29 =	vor.u32 v0, v9  }
0x16c: {  	v17 =	vimm.s32 $0x5;
	v27 =	vor.u32 v3, v27;
	[tilespmem:v28+s15+$0x0] =	vst.idx.msk $0xffff, v18;
	v18 =	vshll.u32 v34, v4  }
0x16d: {  	v20 =	vimm.s32 $0x6;
	v9 =	vor.u32 v3, v9;
	[tilespmem:v2+s15+$0x0] =	vst.idx.msk $0xffff, v15;
	v2 =	vbroadcast v18, $0x0  }
0x16e: {  	s31 =	simm.s32 $0xA;
	v62 =	vimm.s32 $0x7;
	v32 =	vperm.xlane v36, v16;
	v56 =	vperm.xlane v35, v17;
	[tilespmem:v12+s15+$0x0] =	vst.idx.msk $0xffff, v30  }
0x16f: {  	v47 =	vmov s31;
	v41 =	vperm.xlane v36, v17;
	v55 =	vld.idx.msk [tilespmem:v48+s2+$0x0], $0xffff;
	[tilespmem:v24+s15+$0x0] =	vst.idx.msk $0xffff, v6;
	v6 =	vadd.s32 v7, v2  }
0x170: {  	v60 =	vperm.xlane v35, v20;
	v45 =	vperm.xlane v36, v49;
	v37 =	vadd.s32 v23, v1;
	v29 =	vld.idx.msk [tilespmem:v29+s2+$0x0], $0xffff  }
0x171: {  	v32 =	vshll.u32 v32, $0x5;
	v41 =	vshll.u32 v41, $0x5;
	v24 =	vld.idx.msk [tilespmem:v27+s2+$0x0], $0xffff;
	v2 =	vadd.s32 v19, v2  }
0x172: {  	v31 =	vshrl.u32 v47, $0x3;
	v38 =	vadd.s32 v14, v1;
	v15 =	vperm.xlane v36, v11;
	v9 =	vld.idx.msk [tilespmem:v9+s2+$0x0], $0xffff  }
0x173: {  	v45 =	vshll.u32 v45, $0x5;
	v31 =	vshll.u32 v31, v4;
	v33 =	vshll.u32 v56, $0x5  }
0x174: {  	s12 =	simm.s32 $0x15;
	v42 =	vadd.s32 v7, v1;
	v40 =	vor.u32 v0, v33;
	v15 =	vshll.u32 v15, $0x5;
	[tilespmem:v6+s15+$0x0] =	vst.idx.msk $0xffff, v55  }
0x175: {  	v57 =	vor.u32 v0, v15;
	v39 =	vor.u32 v3, v15;
	v15 =	vmov s12;
	[tilespmem:v37+s15+$0x0] =	vst.idx.msk $0xffff, v29  }
0x176: {  	s30 =	simm.s32 $0x9;
	v59 =	vadd.s32 v19, v1;
	v47 =	vadd.s32 v53, v1;
	v58 =	vshrl.u32 v15, $0x3;
	[tilespmem:v2+s15+$0x0] =	vst.idx.msk $0xffff, v24  }
0x177: {  	v5 =	vmov s30;
	v28 =	vor.u32 v0, v32;
	v6 =	vshll.u32 v58, v4;
	[tilespmem:v38+s15+$0x0] =	vst.idx.msk $0xffff, v9  }
0x178: {  	s22 =	simm.s32 $0x16;
	v5 =	vshrl.u32 v5, $0x3;
	v33 =	vor.u32 v3, v33;
	v2 =	vbroadcast v6, $0x0;
	v17 =	vld [tilespmem:$0x1FF70]  }
0x179: {  	s4 =	simm.s32 $0xB;
	v46 =	vmov s22;
	v5 =	vshll.u32 v5, v4;
	v32 =	vor.u32 v3, v32  }
0x17a: {  	v46 =	vshrl.u32 v46, $0x3;
	v18 =	vmov s4;
	v29 =	vld.idx.msk [tilespmem:v40+s2+$0x0], $0xffff;
	v9 =	vadd.s32 v22, v2  }
0x17b: {  	s29 =	simm.s32 $0xF;
	v5 =	vbroadcast v5, $0x0;
	v15 =	vshrl.u32 v18, $0x3;
	v18 =	vperm.xlane v36, v20  }
0x17c: {  	v12 =	vadd.s32 v50, v1;
	v30 =	vmov s29;
	v27 =	vadd.s32 v43, v1;
	v28 =	vld.idx.msk [tilespmem:v28+s2+$0x0], $0xffff  }
0x17d: {  	v15 =	vshll.u32 v15, v4;
	v6 =	vshll.u32 v18, $0x5;
	v33 =	vld.idx.msk [tilespmem:v33+s2+$0x0], $0xffff;
	v2 =	vadd.s32 v17, v2  }
0x17e: {  	v11 =	vmovc v43;
	v37 =	vshll.u32 v60, $0x5;
	v43 =	vor.u32 v0, v6;
	v44 =	vor.u32 v3, v6;
	v6 =	vld.idx.msk [tilespmem:v32+s2+$0x0], $0xffff  }
0x17f: {  	s13 =	simm.s32 $0xC;
	v20 =	vimm.s32 $0x8;
	v24 =	vor.u32 v0, v41;
	v61 =	vor.u32 v0, v37;
	[tilespmem:v9+s15+$0x0] =	vst.idx.msk $0xffff, v29  }
0x180: {  	v16 =	vmovc v14;
	v41 =	vor.u32 v3, v41;
	v18 =	vmov s13;
	v37 =	vor.u32 v3, v37;
	v14 =	vld [tilespmem:$0x1FF80]  }
0x181: {  	v48 =	vshrl.u32 v18, $0x3;
	v18 =	vperm.xlane v36, v20;
	v9 =	vshll.u32 v46, v4;
	[tilespmem:v12+s15+$0x0] =	vst.idx.msk $0xffff, v28  }
0x182: {  	s23 =	simm.s32 $0xD;
	v38 =	vadd.s32 v22, v1;
	v12 =	vperm.xlane v35, v62;
	[tilespmem:v2+s15+$0x0] =	vst.idx.msk $0xffff, v33;
	v2 =	vbroadcast v9, $0x0  }
0x183: {  	v40 =	vadd.s32 v17, v1;
	v46 =	vadd.s32 v10, v1;
	v28 =	vmov s23;
	[tilespmem:v27+s15+$0x0] =	vst.idx.msk $0xffff, v6  }
0x184: {  	v27 =	vadd.s32 v8, v1;
	v63 =	vshll.u32 v12, $0x5;
	v32 =	vld.idx.msk [tilespmem:v61+s2+$0x0], $0xffff;
	v6 =	vadd.s32 v53, v2  }
0x185: {  	v33 =	vor.u32 v0, v45;
	v37 =	vld.idx.msk [tilespmem:v37+s2+$0x0], $0xffff;
	v29 =	vadd.s32 v14, v1;
	v1 =	vadd.s32 v14, v2  }
0x186: {  	v45 =	vor.u32 v3, v45;
	v9 =	vshll.u32 v18, $0x5;
	v34 =	vor.u32 v3, v63  }
0x187: {  	s24 =	simm.s32 $0x17;
	v18 =	vor.u32 v0, v9;
	v12 =	vor.u32 v3, v9;
	v2 =	vld.idx.msk [tilespmem:v57+s2+$0x0], $0xffff;
	v53 =	vor.u32 v0, v63  }
0x188: {  	v9 =	vshll.u32 v21, v4;
	v21 =	vmov s24;
	v61 =	vadd.s32 v13, v5  }
0x189: {  	v39 =	vld.idx.msk [tilespmem:v39+s2+$0x0], $0xffff;
	v9 =	vbroadcast v9, $0x0;
	v21 =	vshrl.u32 v21, $0x3;
	v14 =	vimm.s32 $0x9;
	[tilespmem:v6+s15+$0x0] =	vst.idx.msk $0xffff, v32  }
0x18a: {  	v28 =	vshrl.u32 v28, $0x3;
	v54 =	vperm.xlane v36, v14;
	v6 =	vshll.u32 v21, v4;
	[tilespmem:v1+s15+$0x0] =	vst.idx.msk $0xffff, v37  }
0x18b: {  	s25 =	simm.s32 $0x18;
	v60 =	vadd.s32 v51, v9;
	v9 =	vadd.s32 v52, v9;
	v21 =	vbroadcast v6, $0x0;
	v50 =	vld [tilespmem:$0x1FF60]  }
0x18c: {  	v6 =	vshll.u32 v54, $0x5;
	[tilespmem:v42+s15+$0x0] =	vst.idx.msk $0xffff, v2;
	v2 =	vperm.xlane v35, v20;
	v32 =	vld.idx.msk [tilespmem:v53+s2+$0x0], $0xffff;
	v53 =	vmov s25  }
0x18d: {  	v20 =	vimm.s32 $0xA;
	v55 =	vadd.s32 v8, v21;
	v21 =	vadd.s32 v10, v21  }
0x18e: {  	v34 =	vld.idx.msk [tilespmem:v34+s2+$0x0], $0xffff;
	[tilespmem:v59+s15+$0x0] =	vst.idx.msk $0xffff, v39;
	v54 =	vperm.xlane v36, v20;
	v39 =	vshrl.u32 v53, $0x3;
	v2 =	vshll.u32 v2, $0x5  }
0x18f: {  	v59 =	vadd.s32 v26, v5;
	v24 =	vld.idx.msk [tilespmem:v24+s2+$0x0], $0xffff;
	v39 =	vshll.u32 v39, v4;
	v49 =	vor.u32 v0, v2  }
0x190: {  	v41 =	vld.idx.msk [tilespmem:v41+s2+$0x0], $0xffff;
	v2 =	vor.u32 v3, v2;
	v42 =	vshll.u32 v54, $0x5;
	v5 =	vbroadcast v39, $0x0  }
0x191: {  	v1 =	vor.u32 v0, v6;
	v6 =	vor.u32 v3, v6;
	v63 =	vor.u32 v0, v42  }
0x192: {  	v62 =	vor.u32 v3, v42;
	[tilespmem:v55+s15+$0x0] =	vst.idx.msk $0xffff, v32;
	v55 =	vbroadcast v31, $0x0;
	v32 =	vadd.s32 v51, v5  }
0x193: {  	v8 =	vmovc v7;
	v5 =	vadd.s32 v52, v5;
	[tilespmem:v21+s15+$0x0] =	vst.idx.msk $0xffff, v34;
	v21 =	vperm.xlane v35, v14;
	v14 =	vimm.s32 $0xB  }
0x194: {  	s28 =	simm.s32 $0x19;
	v7 =	vimm.s32 $0xC;
	[tilespmem:v38+s15+$0x0] =	vst.idx.msk $0xffff, v24;
	v24 =	vld.idx.msk [tilespmem:v49+s2+$0x0], $0xffff;
	v42 =	vperm.xlane v36, v14;
	v57 =	vadd.s32 v23, v55  }
0x195: {  	v2 =	vld.idx.msk [tilespmem:v2+s2+$0x0], $0xffff;
	[tilespmem:v40+s15+$0x0] =	vst.idx.msk $0xffff, v41;
	v49 =	vmov s28;
	v58 =	vadd.s32 v16, v55;
	v41 =	vperm.xlane v36, v7  }
0x196: {  	s30 =	simm.s32 $0x1A;
	v21 =	vshll.u32 v21, $0x5;
	v51 =	vld.idx.msk [tilespmem:v43+s2+$0x0], $0xffff;
	v38 =	vshrl.u32 v49, $0x3;
	v43 =	vimm.s32 $0xD  }
0x197: {  	v40 =	vld.idx.msk [tilespmem:v44+s2+$0x0], $0xffff;
	v44 =	vmov s30;
	v37 =	vor.u32 v0, v21;
	v34 =	vshll.u32 v42, $0x5  }
0x198: {  	v21 =	vor.u32 v3, v21;
	v38 =	vshll.u32 v38, v4;
	v55 =	vor.u32 v0, v34  }
0x199: {  	v54 =	vor.u32 v3, v34;
	[tilespmem:v32+s15+$0x0] =	vst.idx.msk $0xffff, v24;
	v24 =	vbroadcast v38, $0x0;
	v38 =	vperm.xlane v36, v43  }
0x19a: {  	v32 =	vshll.u32 v41, $0x5;
	[tilespmem:v5+s15+$0x0] =	vst.idx.msk $0xffff, v2;
	v2 =	vperm.xlane v35, v20;
	v5 =	vbroadcast v15, $0x0  }
0x19b: {  	v15 =	vshll.u32 v48, v4;
	[tilespmem:v47+s15+$0x0] =	vst.idx.msk $0xffff, v51;
	v47 =	vshrl.u32 v44, $0x3;
	v51 =	vor.u32 v0, v32  }
0x19c: {  	v52 =	vor.u32 v3, v32;
	v34 =	vld.idx.msk [tilespmem:v37+s2+$0x0], $0xffff;
	v42 =	vadd.s32 v13, v24;
	v24 =	vadd.s32 v26, v24  }
0x19d: {  	v21 =	vld.idx.msk [tilespmem:v21+s2+$0x0], $0xffff;
	[tilespmem:v29+s15+$0x0] =	vst.idx.msk $0xffff, v40;
	v15 =	vbroadcast v15, $0x0;
	v38 =	vshll.u32 v38, $0x5;
	v2 =	vshll.u32 v2, $0x5  }
0x19e: {  	v56 =	vadd.s32 v50, v5;
	v53 =	vadd.s32 v11, v5;
	v5 =	vld.idx.msk [tilespmem:v33+s2+$0x0], $0xffff;
	v33 =	vshll.u32 v47, v4  }
0x19f: {  	v29 =	vor.u32 v0, v2;
	v37 =	vbroadcast v33, $0x0;
	v48 =	vadd.s32 v8, v15  }
0x1a0: {  	v39 =	vld.idx.msk [tilespmem:v45+s2+$0x0], $0xffff;
	v45 =	vadd.s32 v19, v15;
	v15 =	vshll.u32 v28, v4;
	v28 =	vperm.xlane v35, v14  }
0x1a1: {  	v41 =	vor.u32 v0, v38;
	v44 =	vor.u32 v3, v38;
	v2 =	vor.u32 v3, v2  }
0x1a2: {  	s26 =	simm.s32 $0xE;
	v8 =	vimm.s32 $0xE;
	v28 =	vshll.u32 v28, $0x5;
	[tilespmem:v42+s15+$0x0] =	vst.idx.msk $0xffff, v34;
	v34 =	vadd.s32 v23, v37  }
0x1a3: {  	v31 =	vmov s26;
	v42 =	vor.u32 v0, v28;
	[tilespmem:v24+s15+$0x0] =	vst.idx.msk $0xffff, v21;
	v24 =	vperm.xlane v36, v8  }
0x1a4: {  	v43 =	vor.u32 v3, v28;
	v21 =	vshrl.u32 v31, $0x3;
	[tilespmem:v27+s15+$0x0] =	vst.idx.msk $0xffff, v5;
	v5 =	vbroadcast v15, $0x0;
	v29 =	vld.idx.msk [tilespmem:v29+s2+$0x0], $0xffff  }
0x1a5: {  	s31 =	simm.s32 $0x1B;
	v15 =	vshrl.u32 v30, $0x3;
	v27 =	vadd.s32 v16, v37;
	v49 =	vshll.u32 v24, $0x5  }
0x1a6: {  	[tilespmem:v46+s15+$0x0] =	vst.idx.msk $0xffff, v39;
	v24 =	vld.idx.msk [tilespmem:v2+s2+$0x0], $0xffff;
	v40 =	vadd.s32 v22, v5;
	v39 =	vadd.s32 v17, v5;
	v2 =	vmov s31  }
0x1a7: {  	v5 =	vshll.u32 v21, v4;
	v38 =	vor.u32 v0, v49;
	v13 =	vor.u32 v3, v49  }
0x1a8: {  	s22 =	simm.s32 $0x1F;
	v46 =	vld.idx.msk [tilespmem:v18+s2+$0x0], $0xffff;
	v2 =	vshrl.u32 v2, $0x3;
	v18 =	vbroadcast v5, $0x0;
	v5 =	vimm.s32 $0xF  }
0x1a9: {  	s23 =	simm.s32 $0x1F;
	s24 =	simm.s32 $0x0;
	s25 =	simm.s32 $0x7F30;
	v47 =	vld.idx.msk [tilespmem:v12+s2+$0x0], $0xffff;
	v21 =	vperm.xlane v36, v5;
	v36 =	vshll.u32 v2, v4;
	[tilespmem:v34+s15+$0x0] =	vst.idx.msk $0xffff, v29  }
.LBB2_7:
0x1aa: {  	v12 =	vld [tilespmem:s25+$0x0]  }
0x1ab: {  	v20 =	vld [tilespmem:$0x1FFB0]  }
0x1ac: {  	v14 =	vld [tilespmem:$0x1FF80]  }
0x1ad: {  	v25 =	vld [tilespmem:$0x1FFA0]  }
0x1ae: {  	[tilespmem:v27+s15+$0x0] =	vst.idx.msk $0xffff, v24;
	v22 =	vld [tilespmem:$0x1FFC0]  }
0x1af: {  	v2 =	vshll.u32 v15, v4;
	v15 =	vshll.u32 v21, $0x5;
	v21 =	vld.idx.msk [tilespmem:v42+s2+$0x0], $0xffff;
	[tilespmem:v60+s15+$0x0] =	vst.idx.msk $0xffff, v46  }
0x1b0: {  	v5 =	vbroadcast v36, $0x0;
	[tilespmem:v9+s15+$0x0] =	vst.idx.msk $0xffff, v47;
	v9 =	vld.idx.msk [tilespmem:v43+s2+$0x0], $0xffff  }
0x1b1: {  	v43 =	vld [tilespmem:$0x1FF90]  }
0x1b2: {  	v24 =	vperm.xlane v35, v7;
	v2 =	vbroadcast v2, $0x0;
	v27 =	vadd.s32 v50, v5;
	v36 =	vld [tilespmem:s25+$0xFFFFFFF0]  }
0x1b3: {  	v7 =	vimm.s32 $0xD;
	v8 =	vor.u32 v3, v15;
	v49 =	vadd.s32 v20, v18;
	v1 =	vld.idx.msk [tilespmem:v1+s2+$0x0], $0xffff  }
0x1b4: {  	[tilespmem:$0x1FEB0] =	vst v8;
	v50 =	vadd.s32 v14, v18;
	v18 =	vshll.u32 v24, $0x5;
	v8 =	vadd.s32 v25, v2;
	v6 =	vld.idx.msk [tilespmem:v6+s2+$0x0], $0xffff  }
0x1b5: {  	s1 =	sadd.s32 $0xFFFFFFFD, s23;
	v19 =	vld [tilespmem:$0x1FFF0];
	v47 =	vor.u32 v0, v15;
	v2 =	vadd.s32 v22, v2;
	[tilespmem:$0x1FEC0] =	vst v8;
	v8 =	vimm.s32 $0x0  }
0x1b6: {  	s23 =	sadd.s32 $0x20, s23;
	v17 =	vld [tilespmem:$0x1FF00];
	v24 =	vmov s1;
	v15 =	vor.u32 v0, v18;
	[tilespmem:$0x1FED0] =	vst v2;
	v28 =	vperm.xlane v12, v8  }
0x1b7: {  	v10 =	vld [tilespmem:$0x1FF70];
	s26 =	sadd.s32 $0xFFFFFFF1, s23;
	v2 =	vshrl.u32 v24, $0x3;
	[tilespmem:v27+s15+$0x0] =	vst.idx.msk $0xffff, v21;
	v27 =	vperm.xlane v35, v7;
	v5 =	vadd.s32 v43, v5  }
0x1b8: {  	v26 =	vld [tilespmem:$0x1FF20];
	v24 =	vshll.u32 v28, $0x5;
	v28 =	vmov s26;
	v21 =	vperm.xlane v36, v8;
	[tilespmem:v61+s15+$0x0] =	vst.idx.msk $0xffff, v1  }
0x1b9: {  	v11 =	vimm.s32 $0x1;
	v42 =	vld [tilespmem:$0x1FFD0];
	v18 =	vor.u32 v3, v18;
	v28 =	vshrl.u32 v28, $0x3;
	[tilespmem:v59+s15+$0x0] =	vst.idx.msk $0xffff, v6  }
0x1ba: {  	v6 =	vshll.u32 v27, $0x5;
	v27 =	vshll.u32 v28, v4;
	v21 =	vshll.u32 v21, $0x5;
	v28 =	vld.idx.msk [tilespmem:v63+s2+$0x0], $0xffff  }
0x1bb: {  	v33 =	vperm.xlane v12, v11;
	v2 =	vshll.u32 v2, v4;
	v30 =	vld.idx.msk [tilespmem:v62+s2+$0x0], $0xffff;
	v32 =	vor.u32 v0, v21  }
0x1bc: {  	v2 =	vbroadcast v2, $0x0;
	[tilespmem:v5+s15+$0x0] =	vst.idx.msk $0xffff, v9;
	v5 =	vperm.xlane v36, v11;
	v9 =	vor.u32 v0, v24;
	v11 =	vld [tilespmem:$0x1FF10]  }
0x1bd: {  	v24 =	vor.u32 v3, v24;
	v15 =	vld.idx.msk [tilespmem:v15+s2+$0x0], $0xffff  }
0x1be: {  	v1 =	vld.idx.msk [tilespmem:v18+s2+$0x0], $0xffff;
	v18 =	vadd.s32 v42, v2  }
0x1bf: {  	s13 =	sadd.s32 $0xFFFFFFFE, s22;
	v46 =	vmov v13;
	v13 =	vld [tilespmem:$0x1FFE0];
	v2 =	vadd.s32 v19, v2;
	[tilespmem:v57+s15+$0x0] =	vst.idx.msk $0xffff, v28  }
0x1c0: {  	s12 =	sadd.s32 $0xFFFFFFE1, s23;
	v31 =	vmov s13;
	v29 =	vor.u32 v0, v6;
	v27 =	vbroadcast v27, $0x0;
	v32 =	vld.idx.msk [tilespmem:v32+s2+$0x0], $0xffff  }
0x1c1: {  	v31 =	vshrl.u32 v31, $0x3;
	v34 =	vmov s12;
	v6 =	vor.u32 v3, v6;
	v9 =	vld.idx.msk [tilespmem:v9+s2+$0x0], $0xffff  }
0x1c2: {  	v7 =	vimm.s32 $0xF;
	v8 =	vimm.s32 $0xE;
	v37 =	vadd.s32 v17, v27;
	[tilespmem:v58+s15+$0x0] =	vst.idx.msk $0xffff, v30;
	v24 =	vld.idx.msk [tilespmem:v24+s2+$0x0], $0xffff  }
0x1c3: {  	v16 =	vld [tilespmem:$0x1FF30];
	s13 =	sadd.s32 $0xFFFFFFF2, s23;
	[tilespmem:v18+s15+$0x0] =	vst.idx.msk $0xffff, v15;
	v15 =	vshll.u32 v31, v4;
	v18 =	vadd.s32 v11, v27;
	v27 =	vshll.u32 v33, $0x5  }
0x1c4: {  	v61 =	vld.idx.msk [tilespmem:v54+s2+$0x0], $0xffff;
	v31 =	vmov s13;
	[tilespmem:v2+s15+$0x0] =	vst.idx.msk $0xffff, v1;
	v1 =	vbroadcast v15, $0x0;
	v15 =	vor.u32 v0, v27  }
0x1c5: {  	v2 =	vor.u32 v3, v21;
	v27 =	vor.u32 v3, v27;
	v21 =	vld.idx.msk [tilespmem:v29+s2+$0x0], $0xffff;
	v29 =	vperm.xlane v35, v8  }
0x1c6: {  	v57 =	vimm.s32 $0x2;
	v31 =	vshrl.u32 v31, $0x3;
	v6 =	vld.idx.msk [tilespmem:v6+s2+$0x0], $0xffff;
	v28 =	vadd.s32 v13, v1  }
0x1c7: {  	v23 =	vld [tilespmem:$0x1FF50];
	v1 =	vadd.s32 v10, v1;
	v29 =	vshll.u32 v29, $0x5;
	[tilespmem:v37+s15+$0x0] =	vst.idx.msk $0xffff, v9;
	v9 =	vshll.u32 v31, v4  }
0x1c8: {  	v30 =	vshrl.u32 v34, $0x3;
	s13 =	sadd.s32 $0xFFFFFFFF, s22;
	v31 =	vor.u32 v0, v29;
	[tilespmem:v18+s15+$0x0] =	vst.idx.msk $0xffff, v24;
	v9 =	vbroadcast v9, $0x0;
	v18 =	vld.idx.msk [tilespmem:v55+s2+$0x0], $0xffff  }
0x1c9: {  	v59 =	vperm.xlane v12, v57;
	v24 =	vor.u32 v3, v29;
	v29 =	vmov s13;
	v15 =	vld.idx.msk [tilespmem:v15+s2+$0x0], $0xffff  }
0x1ca: {  	v30 =	vshll.u32 v30, v4;
	v29 =	vshrl.u32 v29, $0x3;
	v27 =	vld.idx.msk [tilespmem:v27+s2+$0x0], $0xffff;
	v60 =	vadd.s32 v26, v9  }
0x1cb: {  	v8 =	vld [tilespmem:$0x1FF40];
	v9 =	vadd.s32 v16, v9;
	[tilespmem:v28+s15+$0x0] =	vst.idx.msk $0xffff, v21;
	v21 =	vshll.u32 v29, v4;
	v28 =	vshll.u32 v59, $0x5  }
0x1cc: {  	s12 =	sadd.s32 $0xFFFFFFF3, s23;
	v2 =	vld.idx.msk [tilespmem:v2+s2+$0x0], $0xffff;
	[tilespmem:v1+s15+$0x0] =	vst.idx.msk $0xffff, v6;
	v6 =	vbroadcast v21, $0x0;
	v1 =	vbroadcast v30, $0x0;
	v21 =	vor.u32 v0, v28  }
0x1cd: {  	v30 =	vperm.xlane v35, v7;
	v35 =	vmovc v12;
	v12 =	vor.u32 v3, v28;
	v28 =	vmov s12;
	v29 =	vld.idx.msk [tilespmem:v31+s2+$0x0], $0xffff  }
0x1ce: {  	v24 =	vld.idx.msk [tilespmem:v24+s2+$0x0], $0xffff;
	v28 =	vshrl.u32 v28, $0x3;
	[tilespmem:v56+s15+$0x0] =	vst.idx.msk $0xffff, v18;
	v56 =	vimm.s32 $0x3;
	v31 =	vadd.s32 v20, v6  }
0x1cf: {  	v6 =	vadd.s32 v14, v6;
	v18 =	vshll.u32 v30, $0x5;
	[tilespmem:v60+s15+$0x0] =	vst.idx.msk $0xffff, v15;
	v15 =	vshll.u32 v28, v4  }
0x1d0: {  	v30 =	vperm.xlane v35, v56;
	v28 =	vor.u32 v0, v18;
	[tilespmem:v9+s15+$0x0] =	vst.idx.msk $0xffff, v27;
	v9 =	vbroadcast v15, $0x0  }
0x1d1: {  	v15 =	vor.u32 v3, v18;
	v18 =	vmov s22;
	v27 =	vadd.s32 v17, v1;
	v21 =	vld.idx.msk [tilespmem:v21+s2+$0x0], $0xffff  }
0x1d2: {  	v18 =	vshrl.u32 v18, $0x3;
	v12 =	vld.idx.msk [tilespmem:v12+s2+$0x0], $0xffff;
	v63 =	vadd.s32 v8, v9  }
0x1d3: {  	v18 =	vshll.u32 v18, v4;
	v9 =	vadd.s32 v23, v9;
	[tilespmem:v31+s15+$0x0] =	vst.idx.msk $0xffff, v29;
	v29 =	vshll.u32 v30, $0x5  }
0x1d4: {  	s13 =	sadd.s32 $0xFFFFFFF4, s23;
	[tilespmem:v6+s15+$0x0] =	vst.idx.msk $0xffff, v24;
	v6 =	vbroadcast v18, $0x0;
	v18 =	vadd.s32 v11, v1;
	v30 =	vor.u32 v0, v29  }
0x1d5: {  	v5 =	vshll.u32 v5, $0x5;
	v7 =	vld [tilespmem:$0x1FF60];
	[tilespmem:v53+s15+$0x0] =	vst.idx.msk $0xffff, v61;
	v31 =	vmov s13;
	v29 =	vor.u32 v3, v29  }
0x1d6: {  	v24 =	vor.u32 v0, v5;
	v28 =	vld.idx.msk [tilespmem:v28+s2+$0x0], $0xffff;
	[tilespmem:v27+s15+$0x0] =	vst.idx.msk $0xffff, v32;
	v27 =	vshrl.u32 v31, $0x3  }
0x1d7: {  	v5 =	vor.u32 v3, v5;
	v15 =	vld.idx.msk [tilespmem:v15+s2+$0x0], $0xffff;
	[tilespmem:v63+s15+$0x0] =	vst.idx.msk $0xffff, v21;
	v21 =	vshll.u32 v27, v4  }
0x1d8: {  	s3 =	sadd.s32 $0xFFFFFFEA, s23;
	v37 =	vadd.s32 v25, v6;
	[tilespmem:v9+s15+$0x0] =	vst.idx.msk $0xffff, v12;
	v12 =	vbroadcast v21, $0x0  }
0x1d9: {  	v62 =	vmov s3;
	v60 =	vimm.s32 $0x4;
	v31 =	vadd.s32 v22, v6;
	[tilespmem:v18+s15+$0x0] =	vst.idx.msk $0xffff, v2;
	v18 =	vld.idx.msk [tilespmem:v30+s2+$0x0], $0xffff  }
0x1da: {  	s4 =	sadd.s32 $0xFFFFFFE9, s23;
	v9 =	vshrl.u32 v62, $0x3;
	v21 =	vperm.xlane v35, v60;
	v29 =	vld.idx.msk [tilespmem:v29+s2+$0x0], $0xffff;
	v62 =	vadd.s32 v7, v12  }
0x1db: {  	v34 =	vmov s4;
	v59 =	vperm.xlane v36, v57;
	v27 =	vadd.s32 v26, v1;
	v24 =	vld.idx.msk [tilespmem:v24+s2+$0x0], $0xffff  }
0x1dc: {  	v6 =	vshrl.u32 v34, $0x3;
	v12 =	vadd.s32 v43, v12;
	v21 =	vshll.u32 v21, $0x5;
	v5 =	vld.idx.msk [tilespmem:v5+s2+$0x0], $0xffff  }
0x1dd: {  	v34 =	vadd.s32 v16, v1;
	v2 =	vshll.u32 v59, $0x5;
	v7 =	vld [tilespmem:$0x1FF60];
	[tilespmem:v37+s15+$0x0] =	vst.idx.msk $0xffff, v28;
	v28 =	vor.u32 v0, v21  }
0x1de: {  	s3 =	sadd.s32 $0xFFFFFFF5, s23;
	v30 =	vor.u32 v0, v2;
	[tilespmem:v31+s15+$0x0] =	vst.idx.msk $0xffff, v15  }
0x1df: {  	s31 =	sadd.s32 $0xFFFFFFEC, s23;
	v55 =	vadd.s32 v23, v1;
	v63 =	vmov s3;
	v52 =	vld.idx.msk [tilespmem:v52+s2+$0x0], $0xffff;
	[tilespmem:v62+s15+$0x0] =	vst.idx.msk $0xffff, v18  }
0x1e0: {  	s1 =	sadd.s32 $0xFFFFFFEB, s23;
	v58 =	vmov s31;
	v32 =	vshrl.u32 v63, $0x3;
	v21 =	vor.u32 v3, v21;
	v37 =	vld.idx.msk [tilespmem:v51+s2+$0x0], $0xffff;
	[tilespmem:v27+s15+$0x0] =	vst.idx.msk $0xffff, v24  }
0x1e1: {  	v61 =	vmov s1;
	v2 =	vor.u32 v3, v2;
	v18 =	vshll.u32 v32, v4;
	[tilespmem:v12+s15+$0x0] =	vst.idx.msk $0xffff, v29  }
0x1e2: {  	v12 =	vbroadcast v18, $0x0;
	v18 =	vadd.s32 v7, v1;
	v7 =	vimm.s32 $0x5;
	[tilespmem:v34+s15+$0x0] =	vst.idx.msk $0xffff, v5;
	v27 =	vld.idx.msk [tilespmem:v28+s2+$0x0], $0xffff  }
0x1e3: {  	v33 =	vadd.s32 v42, v1;
	v31 =	vadd.s32 v8, v1;
	v28 =	vperm.xlane v35, v7;
	v30 =	vld.idx.msk [tilespmem:v30+s2+$0x0], $0xffff  }
0x1e4: {  	v53 =	vshrl.u32 v61, $0x3;
	v15 =	vperm.xlane v36, v56;
	v29 =	vadd.s32 v42, v12  }
0x1e5: {  	s4 =	sadd.s32 $0xFFFFFFF6, s23;
	v59 =	vperm.xlane v36, v60;
	v21 =	vld.idx.msk [tilespmem:v21+s2+$0x0], $0xffff;
	v12 =	vadd.s32 v19, v12;
	v28 =	vshll.u32 v28, $0x5  }
0x1e6: {  	v61 =	vmov s4;
	v15 =	vshll.u32 v15, $0x5;
	v2 =	vld.idx.msk [tilespmem:v2+s2+$0x0], $0xffff;
	[tilespmem:v48+s15+$0x0] =	vst.idx.msk $0xffff, v37;
	v54 =	vor.u32 v0, v28  }
0x1e7: {  	v51 =	vshrl.u32 v58, $0x3;
	v56 =	vor.u32 v0, v15;
	v15 =	vor.u32 v3, v15;
	[tilespmem:v45+s15+$0x0] =	vst.idx.msk $0xffff, v52  }
0x1e8: {  	v32 =	vadd.s32 v43, v1;
	v5 =	vshll.u32 v59, $0x5;
	v59 =	vadd.s32 v19, v1;
	[tilespmem:v31+s15+$0x0] =	vst.idx.msk $0xffff, v30  }
0x1e9: {  	s30 =	sadd.s32 $0xFFFFFFED, s23;
	v62 =	vshrl.u32 v61, $0x3;
	v34 =	vor.u32 v0, v5;
	v60 =	vperm.xlane v36, v7;
	[tilespmem:v29+s15+$0x0] =	vst.idx.msk $0xffff, v27  }
0x1ea: {  	v24 =	vmov s30;
	v28 =	vor.u32 v3, v28;
	v27 =	vshll.u32 v62, v4;
	[tilespmem:v12+s15+$0x0] =	vst.idx.msk $0xffff, v21  }
0x1eb: {  	s12 =	sadd.s32 $0xFFFFFFF7, s23;
	v7 =	vimm.s32 $0x6;
	v45 =	vshrl.u32 v24, $0x3;
	[tilespmem:v55+s15+$0x0] =	vst.idx.msk $0xffff, v2;
	v12 =	vbroadcast v27, $0x0;
	v24 =	vld.idx.msk [tilespmem:v54+s2+$0x0], $0xffff  }
0x1ec: {  	v5 =	vor.u32 v3, v5;
	v37 =	vperm.xlane v36, v7;
	v52 =	vmov s12;
	v54 =	vld.idx.msk [tilespmem:v56+s2+$0x0], $0xffff  }
0x1ed: {  	v63 =	vshll.u32 v60, $0x5;
	v48 =	vshrl.u32 v52, $0x3;
	v31 =	vadd.s32 v13, v12  }
0x1ee: {  	v57 =	vor.u32 v3, v63;
	v29 =	vor.u32 v0, v63;
	v27 =	vperm.xlane v35, v7;
	v56 =	vld.idx.msk [tilespmem:v15+s2+$0x0], $0xffff  }
0x1ef: {  	v2 =	vadd.s32 v13, v1;
	v21 =	vshll.u32 v37, $0x5;
	v28 =	vld.idx.msk [tilespmem:v28+s2+$0x0], $0xffff;
	v12 =	vadd.s32 v10, v12  }
0x1f0: {  	v55 =	vadd.s32 v10, v1;
	v61 =	vld.idx.msk [tilespmem:v41+s2+$0x0], $0xffff;
	v58 =	vor.u32 v0, v21;
	v27 =	vshll.u32 v27, $0x5  }
0x1f1: {  	s29 =	sadd.s32 $0xFFFFFFEE, s23;
	v37 =	vimm.s32 $0x7;
	v62 =	vld.idx.msk [tilespmem:v44+s2+$0x0], $0xffff;
	v7 =	vor.u32 v3, v21;
	v21 =	vor.u32 v0, v27;
	[tilespmem:v18+s15+$0x0] =	vst.idx.msk $0xffff, v54  }
0x1f2: {  	v30 =	vmov s29;
	v15 =	vperm.xlane v36, v37;
	v60 =	vor.u32 v3, v27;
	[tilespmem:v31+s15+$0x0] =	vst.idx.msk $0xffff, v24  }
0x1f3: {  	v63 =	vimm.s32 $0x8;
	v41 =	vadd.s32 v14, v1;
	v24 =	vshll.u32 v48, v4;
	[tilespmem:v32+s15+$0x0] =	vst.idx.msk $0xffff, v56  }
0x1f4: {  	v44 =	vperm.xlane v36, v63;
	v15 =	vshll.u32 v15, $0x5;
	[tilespmem:v12+s15+$0x0] =	vst.idx.msk $0xffff, v28;
	v12 =	vbroadcast v24, $0x0  }
0x1f5: {  	v27 =	vadd.s32 v20, v1;
	v52 =	vor.u32 v0, v15;
	v48 =	vor.u32 v3, v15;
	v34 =	vld.idx.msk [tilespmem:v34+s2+$0x0], $0xffff  }
0x1f6: {  	v15 =	vshrl.u32 v30, $0x3;
	v30 =	vld.idx.msk [tilespmem:v21+s2+$0x0], $0xffff;
	v21 =	vperm.xlane v35, v37;
	v32 =	vadd.s32 v20, v12  }
0x1f7: {  	s13 =	sadd.s32 $0xFFFFFFF8, s23;
	v18 =	vadd.s32 v25, v1;
	v24 =	vadd.s32 v22, v1;
	v31 =	vld.idx.msk [tilespmem:v60+s2+$0x0], $0xffff;
	v1 =	vadd.s32 v14, v12  }
0x1f8: {  	v28 =	vshll.u32 v44, $0x5;
	v5 =	vld.idx.msk [tilespmem:v5+s2+$0x0], $0xffff;
	[tilespmem:v40+s15+$0x0] =	vst.idx.msk $0xffff, v61;
	v37 =	vmov s13;
	v60 =	vshll.u32 v21, $0x5  }
0x1f9: {  	v12 =	vor.u32 v3, v28;
	v21 =	vor.u32 v0, v28;
	v28 =	vor.u32 v0, v60  }
0x1fa: {  	[tilespmem:v39+s15+$0x0] =	vst.idx.msk $0xffff, v62;
	v56 =	vshrl.u32 v37, $0x3;
	v54 =	vor.u32 v3, v60  }
0x1fb: {  	v61 =	vshll.u32 v9, v4;
	v9 =	vshll.u32 v56, v4;
	[tilespmem:v32+s15+$0x0] =	vst.idx.msk $0xffff, v30  }
0x1fc: {  	v37 =	vld.idx.msk [tilespmem:v46+s2+$0x0], $0xffff;
	[tilespmem:v1+s15+$0x0] =	vst.idx.msk $0xffff, v31;
	v31 =	vbroadcast v9, $0x0  }
0x1fd: {  	v30 =	vld.idx.msk [tilespmem:v38+s2+$0x0], $0xffff  }
0x1fe: {  	[tilespmem:v33+s15+$0x0] =	vst.idx.msk $0xffff, v34;
	v28 =	vld.idx.msk [tilespmem:v28+s2+$0x0], $0xffff;
	v34 =	vadd.s32 v25, v31  }
0x1ff: {  	s28 =	sadd.s32 $0xFFFFFFEF, s23;
	[tilespmem:v59+s15+$0x0] =	vst.idx.msk $0xffff, v5;
	v5 =	vld.idx.msk [tilespmem:v54+s2+$0x0], $0xffff;
	v31 =	vadd.s32 v22, v31  }
0x200: {  	v44 =	vmov s28;
	s28 =	sadd.s32 $0xFFFFFFF9, s23  }
0x201: {  	v46 =	vmov s28  }
0x202: {  	v6 =	vshll.u32 v6, v4;
	v62 =	vperm.xlane v35, v63;
	v46 =	vshrl.u32 v46, $0x3  }
0x203: {  	v6 =	vbroadcast v6, $0x0;
	v29 =	vld.idx.msk [tilespmem:v29+s2+$0x0], $0xffff;
	[tilespmem:v34+s15+$0x0] =	vst.idx.msk $0xffff, v28;
	v28 =	vshll.u32 v46, v4  }
0x204: {  	v63 =	vshll.u32 v62, $0x5;
	v33 =	vld.idx.msk [tilespmem:v57+s2+$0x0], $0xffff;
	[tilespmem:v31+s15+$0x0] =	vst.idx.msk $0xffff, v5;
	v5 =	vbroadcast v28, $0x0  }
0x205: {  	v9 =	vadd.s32 v11, v6;
	v54 =	vor.u32 v0, v63  }
0x206: {  	v14 =	vimm.s32 $0x9;
	[tilespmem:v49+s15+$0x0] =	vst.idx.msk $0xffff, v30;
	v31 =	vadd.s32 v17, v5;
	v5 =	vadd.s32 v11, v5;
	v11 =	vld [tilespmem:$0x1FEB0]  }
0x207: {  	v40 =	vperm.xlane v36, v14;
	v32 =	vor.u32 v3, v63;
	[tilespmem:v50+s15+$0x0] =	vst.idx.msk $0xffff, v37  }
0x208: {  	v20 =	vimm.s32 $0xA;
	[tilespmem:v2+s15+$0x0] =	vst.idx.msk $0xffff, v29  }
0x209: {  	v56 =	vshll.u32 v40, $0x5;
	v40 =	vperm.xlane v36, v20;
	v38 =	vbroadcast v61, $0x0;
	[tilespmem:v55+s15+$0x0] =	vst.idx.msk $0xffff, v33  }
0x20a: {  	v7 =	vld.idx.msk [tilespmem:v7+s2+$0x0], $0xffff  }
0x20b: {  	v61 =	vadd.s32 v26, v38;
	v30 =	vshll.u32 v40, $0x5;
	v28 =	vld.idx.msk [tilespmem:v54+s2+$0x0], $0xffff  }
0x20c: {  	v63 =	vor.u32 v0, v30;
	v62 =	vor.u32 v3, v30;
	v29 =	vperm.xlane v35, v14;
	v30 =	vld.idx.msk [tilespmem:v32+s2+$0x0], $0xffff  }
0x20d: {  	v59 =	vadd.s32 v16, v38;
	v22 =	vimm.s32 $0xB;
	v40 =	vimm.s32 $0xC;
	v32 =	vld.idx.msk [tilespmem:v58+s2+$0x0], $0xffff  }
0x20e: {  	v38 =	vperm.xlane v36, v40;
	v2 =	vperm.xlane v36, v22;
	v29 =	vshll.u32 v29, $0x5;
	v40 =	vld.idx.msk [tilespmem:v11+s2+$0x0], $0xffff  }
0x20f: {  	v33 =	vor.u32 v0, v29;
	v11 =	vld [tilespmem:$0x1FEC0]  }
0x210: {  	v53 =	vshll.u32 v53, v4;
	v45 =	vshll.u32 v45, v4;
	v2 =	vshll.u32 v2, $0x5  }
0x211: {  	v53 =	vbroadcast v53, $0x0;
	s29 =	sadd.s32 $0xFFFFFFFA, s23;
	v60 =	vadd.s32 v17, v6;
	v55 =	vor.u32 v0, v2;
	[tilespmem:v31+s15+$0x0] =	vst.idx.msk $0xffff, v28  }
0x212: {  	v34 =	vld.idx.msk [tilespmem:v47+s2+$0x0], $0xffff;
	v54 =	vor.u32 v3, v2;
	v2 =	vor.u32 v3, v29;
	v29 =	vmov s29;
	[tilespmem:v5+s15+$0x0] =	vst.idx.msk $0xffff, v30  }
0x213: {  	v1 =	vor.u32 v0, v56;
	v6 =	vor.u32 v3, v56;
	v50 =	vld [tilespmem:$0x1FF60];
	v29 =	vshrl.u32 v29, $0x3;
	[tilespmem:v27+s15+$0x0] =	vst.idx.msk $0xffff, v32  }
0x214: {  	v56 =	vshll.u32 v51, v4;
	v28 =	vshll.u32 v29, v4;
	v27 =	vld.idx.msk [tilespmem:v33+s2+$0x0], $0xffff;
	[tilespmem:v41+s15+$0x0] =	vst.idx.msk $0xffff, v7  }
0x215: {  	s26 =	sadd.s32 $0xFFFFFFF0, s23;
	v15 =	vshll.u32 v15, v4;
	v37 =	vbroadcast v56, $0x0;
	v5 =	vbroadcast v28, $0x0;
	v30 =	vld.idx.msk [tilespmem:v52+s2+$0x0], $0xffff  }
0x216: {  	v39 =	vmov s26;
	v57 =	vadd.s32 v8, v53;
	v58 =	vadd.s32 v23, v53;
	v32 =	vld.idx.msk [tilespmem:v48+s2+$0x0], $0xffff  }
0x217: {  	v49 =	vimm.s32 $0xD;
	v53 =	vadd.s32 v43, v37;
	v7 =	vadd.s32 v26, v5;
	[tilespmem:v11+s15+$0x0] =	vst.idx.msk $0xffff, v34;
	v11 =	vld [tilespmem:$0x1FED0]  }
0x218: {  	v29 =	vshll.u32 v38, $0x5;
	v28 =	vperm.xlane v35, v20;
	v2 =	vld.idx.msk [tilespmem:v2+s2+$0x0], $0xffff;
	v5 =	vadd.s32 v16, v5  }
0x219: {  	v56 =	vadd.s32 v50, v37;
	v31 =	vperm.xlane v36, v49;
	v51 =	vor.u32 v0, v29  }
0x21a: {  	v28 =	vshll.u32 v28, $0x5;
	v52 =	vor.u32 v3, v29;
	v29 =	vbroadcast v45, $0x0  }
0x21b: {  	s30 =	sadd.s32 $0xFFFFFFFB, s23;
	v31 =	vshll.u32 v31, $0x5;
	v33 =	vor.u32 v0, v28;
	v28 =	vor.u32 v3, v28  }
0x21c: {  	v43 =	vmov s30;
	v41 =	vor.u32 v0, v31;
	v48 =	vadd.s32 v42, v29;
	[tilespmem:v7+s15+$0x0] =	vst.idx.msk $0xffff, v27  }
0x21d: {  	v45 =	vadd.s32 v19, v29;
	v29 =	vshrl.u32 v43, $0x3;
	[tilespmem:v5+s15+$0x0] =	vst.idx.msk $0xffff, v2;
	v5 =	vimm.s32 $0xE  }
0x21e: {  	v7 =	vshll.u32 v29, v4;
	v29 =	vbroadcast v15, $0x0;
	v5 =	vperm.xlane v36, v5  }
0x21f: {  	v2 =	vbroadcast v7, $0x0;
	v34 =	vshrl.u32 v44, $0x3;
	v44 =	vor.u32 v3, v31;
	[tilespmem:v11+s15+$0x0] =	vst.idx.msk $0xffff, v40  }
0x220: {  	s24 =	sadd.s32 $0x2, s24;
	v15 =	vshrl.u32 v39, $0x3;
	v7 =	vld.idx.msk [tilespmem:v33+s2+$0x0], $0xffff;
	v39 =	vadd.s32 v10, v29;
	v5 =	vshll.u32 v5, $0x5;
	[tilespmem:v18+s15+$0x0] =	vst.idx.msk $0xffff, v30  }
0x221: {  	p0 =	slt.u32 s24, $0x1E;
	v31 =	vimm.s32 $0xF;
	v18 =	vperm.xlane v35, v22;
	[tilespmem:v24+s15+$0x0] =	vst.idx.msk $0xffff, v32;
	v24 =	vld.idx.msk [tilespmem:v28+s2+$0x0], $0xffff;
	v28 =	vadd.s32 v8, v2  }
.Ltmp2:
0x222: {  	v27 =	vadd.s32 v23, v2;
	v38 =	vor.u32 v0, v5;
	v40 =	vadd.s32 v13, v29;
	(pc) =	sbr.rel @p0 .LBB2_7-.Ltmp2, $4  }
0x223: {  	s31 =	sadd.s32 $0xFFFFFFFC, s23;
	v13 =	vor.u32 v3, v5;
	v5 =	vshll.u32 v34, v4;
	v2 =	vshll.u32 v18, $0x5  }
0x224: {  	v42 =	vor.u32 v0, v2;
	v43 =	vor.u32 v3, v2;
	v2 =	vmov s31  }
0x225: {  	v11 =	vimm.s32 $0xE;
	v46 =	vld.idx.msk [tilespmem:v21+s2+$0x0], $0xffff;
	v18 =	vbroadcast v5, $0x0;
	v2 =	vshrl.u32 v2, $0x3  }
0x226: {  	s25 =	sadd.s32 $0x20, s25;
	s22 =	smov.u32 s23;
	v47 =	vld.idx.msk [tilespmem:v12+s2+$0x0], $0xffff;
	v21 =	vperm.xlane v36, v31;
	v36 =	vshll.u32 v2, v4;
	[tilespmem:v28+s15+$0x0] =	vst.idx.msk $0xffff, v7;
	v7 =	vimm.s32 $0xC  }
0x227: {  	_ =	sdelay $0x3  }
0x228: {  	[tilespmem:v60+s15+$0x0] =	vst.idx.msk $0xffff, v46  }
0x229: {  	[tilespmem:v9+s15+$0x0] =	vst.idx.msk $0xffff, v47  }
0x22a: {  	v1 =	vld.idx.msk [tilespmem:v1+s2+$0x0], $0xffff  }
0x22b: {  	v2 =	vld.idx.msk [tilespmem:v6+s2+$0x0], $0xffff;
	_ =	sdelay $0x3  }
0x22c: {  	[tilespmem:v61+s15+$0x0] =	vst.idx.msk $0xffff, v1  }
0x22d: {  	[tilespmem:v59+s15+$0x0] =	vst.idx.msk $0xffff, v2  }
0x22e: {  	v1 =	vld.idx.msk [tilespmem:v63+s2+$0x0], $0xffff;
	_ =	sdelay $0x3  }
0x22f: {  	[tilespmem:v27+s15+$0x0] =	vst.idx.msk $0xffff, v24  }
0x230: {  	v2 =	vld.idx.msk [tilespmem:v62+s2+$0x0], $0xffff;
	[tilespmem:v57+s15+$0x0] =	vst.idx.msk $0xffff, v1  }
0x231: {  	v32 =	vld [tilespmem:$0x1FF90];
	_ =	sdelay $0x1  }
0x232: {  	v5 =	vbroadcast v36, $0x0;
	_ =	sdelay $0x1  }
0x233: {  	v47 =	vadd.s32 v50, v5;
	v6 =	vperm.xlane v35, v7;
	v7 =	vld.idx.msk [tilespmem:v42+s2+$0x0], $0xffff  }
0x234: {  	v1 =	vld.idx.msk [tilespmem:v43+s2+$0x0], $0xffff;
	[tilespmem:v58+s15+$0x0] =	vst.idx.msk $0xffff, v2;
	v5 =	vadd.s32 v32, v5  }
0x235: {  	v24 =	vld.idx.msk [tilespmem:v55+s2+$0x0], $0xffff;
	_ =	sdelay $0x2  }
0x236: {  	[tilespmem:v47+s15+$0x0] =	vst.idx.msk $0xffff, v7  }
0x237: {  	s1 =	sadd.s32 $0xFFFFFFFD, s23;
	v6 =	vshll.u32 v6, $0x5;
	v27 =	vld.idx.msk [tilespmem:v54+s2+$0x0], $0xffff;
	[tilespmem:v5+s15+$0x0] =	vst.idx.msk $0xffff, v1  }
0x238: {  	v12 =	vmov s1;
	v2 =	vor.u32 v0, v6;
	v10 =	vld [tilespmem:$0x1FFD0];
	[tilespmem:v56+s15+$0x0] =	vst.idx.msk $0xffff, v24  }
0x239: {  	v12 =	vshrl.u32 v12, $0x3;
	v6 =	vor.u32 v3, v6;
	v8 =	vld [tilespmem:$0x1FFF0]  }
0x23a: {  	v12 =	vshll.u32 v12, v4  }
0x23b: {  	v7 =	vbroadcast v12, $0x0;
	_ =	sdelay $0x1  }
0x23c: {  	v2 =	vld.idx.msk [tilespmem:v2+s2+$0x0], $0xffff;
	v5 =	vadd.s32 v10, v7  }
0x23d: {  	v6 =	vld.idx.msk [tilespmem:v6+s2+$0x0], $0xffff;
	[tilespmem:v53+s15+$0x0] =	vst.idx.msk $0xffff, v27;
	v7 =	vadd.s32 v8, v7  }
0x23e: {  	v24 =	vld.idx.msk [tilespmem:v51+s2+$0x0], $0xffff;
	_ =	sdelay $0x1  }
0x23f: {  	v1 =	vperm.xlane v35, v49  }
0x240: {  	[tilespmem:v5+s15+$0x0] =	vst.idx.msk $0xffff, v2  }
0x241: {  	s30 =	sadd.s32 $0xFFFFFFFE, s22;
	v1 =	vshll.u32 v1, $0x5;
	v27 =	vld.idx.msk [tilespmem:v52+s2+$0x0], $0xffff;
	[tilespmem:v7+s15+$0x0] =	vst.idx.msk $0xffff, v6  }
0x242: {  	v57 =	vmov s30;
	v56 =	vor.u32 v0, v1;
	v20 =	vld [tilespmem:$0x1FFE0];
	[tilespmem:v48+s15+$0x0] =	vst.idx.msk $0xffff, v24  }
0x243: {  	v12 =	vshrl.u32 v57, $0x3;
	v1 =	vor.u32 v3, v1;
	v30 =	vmov v8;
	v8 =	vld [tilespmem:$0x1FF70]  }
0x244: {  	v12 =	vshll.u32 v12, v4  }
0x245: {  	v2 =	vbroadcast v12, $0x0;
	_ =	sdelay $0x1  }
0x246: {  	v6 =	vld.idx.msk [tilespmem:v56+s2+$0x0], $0xffff;
	v7 =	vadd.s32 v20, v2  }
0x247: {  	v1 =	vld.idx.msk [tilespmem:v1+s2+$0x0], $0xffff;
	[tilespmem:v45+s15+$0x0] =	vst.idx.msk $0xffff, v27;
	v2 =	vadd.s32 v8, v2  }
0x248: {  	v24 =	vld.idx.msk [tilespmem:v41+s2+$0x0], $0xffff;
	_ =	sdelay $0x1  }
0x249: {  	v5 =	vperm.xlane v35, v11  }
0x24a: {  	[tilespmem:v7+s15+$0x0] =	vst.idx.msk $0xffff, v6  }
0x24b: {  	s31 =	sadd.s32 $0xFFFFFFFF, s22;
	v5 =	vshll.u32 v5, $0x5;
	v27 =	vld.idx.msk [tilespmem:v44+s2+$0x0], $0xffff;
	[tilespmem:v2+s15+$0x0] =	vst.idx.msk $0xffff, v1  }
0x24c: {  	v59 =	vmov s31;
	v58 =	vor.u32 v0, v5;
	v23 =	vld [tilespmem:$0x1FFB0];
	[tilespmem:v40+s15+$0x0] =	vst.idx.msk $0xffff, v24  }
0x24d: {  	v12 =	vshrl.u32 v59, $0x3;
	v5 =	vor.u32 v3, v5;
	v61 =	vld [tilespmem:$0x1FF80]  }
0x24e: {  	v12 =	vshll.u32 v12, v4  }
0x24f: {  	v6 =	vbroadcast v12, $0x0;
	_ =	sdelay $0x1  }
0x250: {  	v2 =	vld.idx.msk [tilespmem:v58+s2+$0x0], $0xffff;
	v7 =	vadd.s32 v23, v6  }
0x251: {  	v5 =	vld.idx.msk [tilespmem:v5+s2+$0x0], $0xffff;
	v6 =	vadd.s32 v61, v6  }
0x252: {  	[tilespmem:v39+s15+$0x0] =	vst.idx.msk $0xffff, v27  }
0x253: {  	v27 =	vld.idx.msk [tilespmem:v38+s2+$0x0], $0xffff;
	v62 =	vadd.s32 v23, v18  }
0x254: {  	v1 =	vperm.xlane v35, v31  }
0x255: {  	[tilespmem:v7+s15+$0x0] =	vst.idx.msk $0xffff, v2  }
0x256: {  	v60 =	vshll.u32 v21, $0x5;
	v1 =	vshll.u32 v1, $0x5;
	v28 =	vld.idx.msk [tilespmem:v13+s2+$0x0], $0xffff;
	[tilespmem:v6+s15+$0x0] =	vst.idx.msk $0xffff, v5  }
0x257: {  	v24 =	vmov s22;
	v21 =	vor.u32 v0, v1;
	v18 =	vadd.s32 v61, v18;
	v26 =	vld [tilespmem:$0x1FFA0]  }
0x258: {  	v29 =	vor.u32 v0, v60;
	v24 =	vshrl.u32 v24, $0x3;
	[tilespmem:v62+s15+$0x0] =	vst.idx.msk $0xffff, v27  }
0x259: {  	v1 =	vor.u32 v3, v1;
	v24 =	vshll.u32 v24, v4;
	v17 =	vld [tilespmem:$0x1FFC0]  }
0x25a: {  	v9 =	vor.u32 v3, v60;
	v2 =	vbroadcast v24, $0x0;
	v7 =	vshll.u32 v15, v4  }
0x25b: {  	v5 =	vbroadcast v7, $0x0  }
0x25c: {  	v6 =	vld.idx.msk [tilespmem:v21+s2+$0x0], $0xffff;
	[tilespmem:v18+s15+$0x0] =	vst.idx.msk $0xffff, v28;
	v7 =	vadd.s32 v26, v2  }
0x25d: {  	v15 =	vld.idx.msk [tilespmem:v29+s2+$0x0], $0xffff;
	v63 =	vadd.s32 v26, v5  }
0x25e: {  	v1 =	vld.idx.msk [tilespmem:v1+s2+$0x0], $0xffff;
	v2 =	vadd.s32 v17, v2  }
0x25f: {  	v9 =	vld.idx.msk [tilespmem:v9+s2+$0x0], $0xffff;
	v5 =	vadd.s32 v17, v5;
	_ =	sdelay $0x1  }
0x260: {  	[tilespmem:v7+s15+$0x0] =	vst.idx.msk $0xffff, v6  }
0x261: {  	s1 =	sadd.s32 @!p1 s8, s20;
	[tilespmem:v63+s15+$0x0] =	vst.idx.msk $0xffff, v15  }
0x262: {  	s1 =	sshrl.u32 @!p1 s1, $0x3;
	[tilespmem:v2+s15+$0x0] =	vst.idx.msk $0xffff, v1  }
0x263: {  	s3 =	simm.s32 @!p1 $0x0;
	s4 =	simm.s32 @!p1 $0x7F00;
	s1 =	sadd.s32 @!p1 s0, s1;
	[tilespmem:v5+s15+$0x0] =	vst.idx.msk $0xffff, v9  }
0x264: {  	[tilespmem:s4], [sflag:$0x4] =	stream.linear.gather @!p1 [hbm4b:s1+s3], $0x200, $0x38;
	[tilespmem:$0x10300] =	vst v63  }
0x265: {  	s20 =	simm.s32 $0xC408;
	s1 =	sadd.s32 s21, s11  }
0x266: {  	v7 =	vmov v10;
	s3 =	simm.s32 $0xC200;
	s4 =	simm.s32 $0x800;
	s21 =	sadd.s32 $0x0, s1  }
.LBB2_9:
0x267: {  	[hbm4b:s21+s2] =	stream.linear.scatter [tilespmem:s3], [sflag:$0x2], $0x200, $0x38;
	[tilespmem:$0x10300] =	vst v63  }
0x268: {  	s12 =	smov.u32 s4;
	s3 =	smov.u32 s20;
	p0 =	sne.s32 s4, $0xF800  }
.Ltmp3:
0x269: {  	s4 =	sadd.s32 $0x800, s4;
	(pc) =	sbr.rel @p0 .LBB2_9-.Ltmp3, $2  }
0x26a: {  	_ =	sdelay $0x2  }
0x26b: {  	s20 =	sadd.s32 $0x208, s20;
	s21 =	sadd.s32 s12, s1  }
0x26c: {  	v8 =	vld [tilespmem:$0x1FF00]  }
0x26d: {  	s19 =	sadd.s32 $0x1, s19;
	v10 =	vld [tilespmem:$0x1FF10]  }
0x26e: {  	v11 =	vld [tilespmem:$0x1FF20];
	p0 =	sne.s32 s19, $0x64  }
.Ltmp4:
0x26f: {  	v13 =	vld [tilespmem:$0x1FF30];
	(pc) =	sbr.rel @p0 .LBB2_2-.Ltmp4, $4  }
0x270: {  	v1 =	vimm.s32 $0x0;
	v31 =	vimm.s32 $0x1;
	v33 =	vimm.s32 $0x2;
	v34 =	vld [tilespmem:$0x1FF40]  }
0x271: {  	v14 =	vld [tilespmem:$0x1FF50];
	v39 =	vimm.s32 $0x3;
	v48 =	vimm.s32 $0x4;
	v51 =	vimm.s32 $0x5  }
0x272: {  	[hbm4b:s21+s2] =	stream.linear.scatter [tilespmem:s3], [sflag:$0x2], $0x200, $0x38;
	v19 =	vmovc v30;
	v25 =	vld [tilespmem:$0x1FF70];
	v53 =	vimm.s32 $0x6;
	v30 =	vimm.s32 $0x7;
	v2 =	vimm.s32 $0x8  }
0x273: {  	v22 =	vld [tilespmem:$0x1FF80];
	v5 =	vimm.s32 $0x9;
	v28 =	vimm.s32 $0xA;
	v29 =	vimm.s32 $0xB  }
0x274: {  	_ =	swait.ge [sflag:s16], $0x4000  }
0x275: {  	[sflag:s16] =	ssyncset.done $0x0  }
0x276: {  	[sflag:s16] =	ssyncadd.s32 $0xFFFFC000  }
0x277: {  	_ =	swait.ge [sflag:s17], $0x4000  }
0x278: {  	s18 =	sadd.s32 $0x1, s18;
	s1 =	rddreg [dreg:$0x4]  }
0x279: {  	p0 =	sne.s32 s18, s1  }
.Ltmp5:
0x27a: {  	_ = 	snop;
	(pc) =	sbr.rel @p0 .LBB2_1-.Ltmp5, $3  }
0x27b: {  	_ =	sdelay $0x1  }
0x27c: {  	[sflag:s17] =	ssyncset.done $0x0  }
0x27d: {  	[sflag:s17] =	ssyncadd.s32 $0xFFFFC000  }
0x27e: {  	_ =	sfence.sel $0x180000  }
0x27f: {  	[bflag:$0x0] =	sbarrier.arrive $0xFFFF  }
0x280: {  	_ =	strace $0x90000047  }
0x281: {  	s0 =	stileid.u32;
	[bflag:$0x2] =	sbarrier.arrive $0xFFFF  }
0x282: {  	p0 =	sne.s32 s0, $0x0;
	s0 =	rddreg [dreg:$0x2]  }
0x283: {  	s0 =	sadd.s32 @!p0 $0x100000, s0  }
0x284: {  	[sflag:s0] =	ssyncadd.tile.s32 @!p0 $0x1;
	_ =	shalt  }
.Lfunc_end2:
_tile_overlayer_lowered:
.L_overlay_start_2:
0x285: {  	(tag) =	ssettag $0x2  }
0x286: {  	s0 =	rddreg [dreg:$0x0];
	s2 =	stileid.u32  }
0x287: {  	s1 =	rddreg [dreg:$0x1];
	p0 =	sne.s32 s2, $0x0  }
0x288: {  	s3 =	rddreg [dreg:$0x2];
	[bflag:$0x3] =	sbarrier.arrive $0xFFFF;
	s2 =	simm.s32 @!p0 $0x1C05  }
0x289: {  	[timem:s3], [sflag:s2] =	dma.local @!p0 [hbm:s0], s1  }
0x28a: {  	s0 =	simm.s32 @!p0 $0x5  }
0x28b: {  	_ =	swait.ge @!p0 [sflag:s0], s1  }
0x28c: {  	s1 =	ssub.s32 @!p0 $0x0, s1;
	[sflag:s0] =	ssyncset.done @!p0 $0x0  }
0x28d: {  	[sflag:s0] =	ssyncadd.s32 @!p0 s1  }
0x28e: {  	[bflag:$0x3] =	sbarrier.arrive $0xFFFF  }
0x28f: {  	_ =	shalt  }

</sc_bundles>
